<compile_context>
chip_gen: v7x
topology: tpu7x:2x2x1
jax: 0.10.2.dev20260603
libtpu: 0.0.44.dev20260713+nightly
codegen_flags: <defaults>
</compile_context>

<pallas_src>
import functools

import jax
import jax.numpy as jnp
from jax import lax
from jax.experimental import pallas as pl
from jax.experimental.pallas import tpu as pltpu
from jax.experimental.pallas import tpu_sc as plsc

B = 4096
L = 200
D = 128
NC = 2
NS = 16
NW = NC * NS
ROWS_PER_W = B // NW
VL = 16
NJ = D // VL
CH0 = 128
CH1 = L - CH0


def _sc_body(body_hbm, table_hbm, out_hbm, idx_v, rows_a, rows_b, t0_v, out_v,
             sem_a, sem_b):
  wid = lax.axis_index("s") * NC + lax.axis_index("c")
  base = wid * ROWS_PER_W

  pltpu.sync_copy(body_hbm.at[pl.ds(base, ROWS_PER_W)], idx_v)
  pltpu.sync_copy(table_hbm.at[pl.ds(0, 1)], t0_v)
  t0 = [t0_v[0, pl.ds(VL * j, VL)] for j in range(NJ)]
  lane = lax.iota(jnp.int32, VL)

  def start_gather(row, rows_ref, sem):
    pltpu.async_copy(table_hbm.at[idx_v.at[row, pl.ds(0, CH0)]],
                     rows_ref.at[pl.ds(0, CH0)], sem)
    pltpu.async_copy(table_hbm.at[idx_v.at[row, pl.ds(CH0, CH1)]],
                     rows_ref.at[pl.ds(CH0, CH1)], sem)

  def wait_gather(rows_ref, sem):
    pltpu.make_async_copy(table_hbm.at[pl.ds(0, L)], rows_ref, sem).wait()

  lane_hi = jnp.minimum(jnp.maximum(lane - (2 * VL - L % VL - 1), 0), 1)

  def process(row, rows_ref):
    nz = jnp.zeros((VL,), jnp.int32)
    for c in range(L // VL):
      v = idx_v[row, pl.ds(VL * c, VL)]
      nz = nz + jnp.minimum(v, 1)
    v = idx_v[row, pl.ds(L - VL, VL)]
    nz = nz + jnp.minimum(v, 1) * lane_hi
    cnt = nz.astype(jnp.float32)
    for k in (8, 4, 2, 1):
      cnt = cnt + cnt[lane ^ k]
    c0 = jnp.float32(L) - cnt
    denom = jnp.maximum(cnt, jnp.float32(1.0))
    inv = jnp.float32(1.0) / denom

    def accum(l, accs):
      return tuple(a + rows_ref[l, pl.ds(VL * j, VL)]
                   for j, a in enumerate(accs))

    accs = lax.fori_loop(0, L, accum,
                         tuple(jnp.zeros((VL,), jnp.float32)
                               for _ in range(NJ)))
    for j in range(NJ):
      out_v[row, pl.ds(VL * j, VL)] = (accs[j] - c0 * t0[j]) * inv

  start_gather(0, rows_a, sem_a)
  start_gather(1, rows_b, sem_b)

  def pair(i, carry):
    row = 2 * i
    wait_gather(rows_a, sem_a)
    process(row, rows_a)
    start_gather(row + 2, rows_a, sem_a)
    wait_gather(rows_b, sem_b)
    process(row + 1, rows_b)
    start_gather(row + 3, rows_b, sem_b)
    return carry

  lax.fori_loop(0, ROWS_PER_W // 2 - 1, pair, 0)
  wait_gather(rows_a, sem_a)
  process(ROWS_PER_W - 2, rows_a)
  wait_gather(rows_b, sem_b)
  process(ROWS_PER_W - 1, rows_b)

  pltpu.sync_copy(out_v, out_hbm.at[pl.ds(base, ROWS_PER_W)])


def _sc_pool(body, emb_table):
  mesh = plsc.VectorSubcoreMesh(core_axis_name="c", subcore_axis_name="s")
  return pl.kernel(
      _sc_body,
      out_type=jax.ShapeDtypeStruct((B, D), jnp.float32),
      mesh=mesh,
      scratch_types=[
          pltpu.VMEM((ROWS_PER_W, L), jnp.int32),
          pltpu.VMEM((L, D), jnp.float32),
          pltpu.VMEM((L, D), jnp.float32),
          pltpu.VMEM((1, D), jnp.float32),
          pltpu.VMEM((ROWS_PER_W, D), jnp.float32),
          pltpu.SemaphoreType.DMA,
          pltpu.SemaphoreType.DMA,
      ],
  )(body, emb_table)


def _bn_body(x_ref, g_ref, b_ref, o_ref):
  x = x_ref[...]
  mu = jnp.mean(x, axis=0, keepdims=True)
  xc = x - mu
  var = jnp.mean(xc * xc, axis=0, keepdims=True)
  o_ref[...] = g_ref[...] * xc * lax.rsqrt(var + 1e-5) + b_ref[...]


def _bn(pooled, gamma, beta):
  return pl.pallas_call(
      _bn_body,
      out_shape=jax.ShapeDtypeStruct((B, D), jnp.float32),
  )(pooled, gamma.reshape(1, D), beta.reshape(1, D))


def kernel(title, body, emb_table, gamma, beta):
  del title
  pooled = _sc_pool(body.astype(jnp.int32), emb_table)
  return _bn(pooled, gamma, beta)

# --- scband reference (transcript-rebuilt; emitter-appended) ---
"""Pipeline reference for scband-body-only-embedder-8555574853962 (READ-ONLY COPY).

The authoritative reference and input builder live on the scoring server;
editing this copy changes nothing except your own understanding.
"""

import jax, jax.numpy as jnp
import numpy as np

VOCAB = 100000
D = 128
B = 4096
L = 200


def setup_inputs(seed: int = 0) -> dict:
    key = jax.random.key(seed)
    k1, k2, k3 = jax.random.split(key, 3)
    title = jax.random.randint(k1, (B, L), 0, VOCAB)
    body = jax.random.randint(k2, (B, L), 0, VOCAB)
    emb_table = jax.random.normal(k3, (VOCAB, D), dtype=jnp.float32)
    gamma = jnp.ones((D,), dtype=jnp.float32)
    beta = jnp.zeros((D,), dtype=jnp.float32)
    return {"title": title, "body": body, "emb_table": emb_table, "gamma": gamma, "beta": beta}


def reference(title, body, emb_table, gamma, beta):
    # pair = (title, body); title is ignored by the module's forward
    # word_embedding(body): gather rows from the (frozen) embedding table
    we = jnp.take(emb_table, body, axis=0)  # [B, L, D]
    # body.gt(0) mask passed to body_embedding; body_embedding = masked mean pooling
    mask = (body > 0).astype(jnp.float32)  # [B, L]
    denom = jnp.maximum(jnp.sum(mask, axis=1, keepdims=True), 1.0)
    pooled = jnp.sum(we * mask[..., None], axis=1) / denom  # [B, D]
    # BatchNorm1d (training mode: batch statistics, biased variance, eps=1e-5)
    mu = jnp.mean(pooled, axis=0)
    var = jnp.var(pooled, axis=0)
    out = gamma * (pooled - mu) / jnp.sqrt(var + 1e-5) + beta
    return out

if __name__ == "__main__":
    import jax
    _d = setup_inputs()
    print(jax.jit(kernel)(*tuple(_d.values())))

</pallas_src>

<mosaic_0001>
#map = affine_map<(d0, d1) -> (0, 0)>
module attributes {stable_mosaic.version = 14 : i64} {
  func.func @_sc_body(%arg0: i32, %arg1: i32, %arg2: memref<4096x200xi32, #tpu.memory_space<hbm>>, %arg3: memref<100000x128xf32, #tpu.memory_space<hbm>>, %arg4: memref<4096x128xf32, #tpu.memory_space<hbm>>, %arg5: memref<128x200xi32, #tpu.memory_space<vmem>>, %arg6: memref<200x128xf32, #tpu.memory_space<vmem>>, %arg7: memref<200x128xf32, #tpu.memory_space<vmem>>, %arg8: memref<1x128xf32, #tpu.memory_space<vmem>>, %arg9: memref<128x128xf32, #tpu.memory_space<vmem>>, %arg10: memref<!tpu.dma_semaphore, #tpu.memory_space<semaphore_mem>>, %arg11: memref<!tpu.dma_semaphore, #tpu.memory_space<semaphore_mem>>) attributes {dimension_semantics = [#tpu.dimension_semantics<core_parallel>, #tpu.dimension_semantics<subcore_parallel>], iteration_bounds = array<i64: 2, 16>, scalar_prefetch = 0 : i64, scratch_operands = 7 : i64, tpu.core_type = #tpu.core_type<sc_vector_subcore>, window_params = [{transform_indices = #map}, {transform_indices = #map}, {transform_indices = #map}]} {
    %mul3A = arith.constant 2 : i32
    %mul3A_0 = arith.muli %arg1, %mul3A : i32
    %add3A = arith.addi %mul3A_0, %arg0 : i32
    %mul3A_1 = arith.constant 128 : i32
    %mul3A_2 = arith.muli %add3A, %mul3A_1 : i32
    "tpu.region"() ({
      %run_scoped3A = tpu.sem_alloc : memref<!tpu.dma_semaphore, #tpu.memory_space<semaphore_mem>>
      %dma_start3A_655 = arith.constant 0 : i32
      %dma_start3A_656 = tpu.memref_slice %arg2[%mul3A_2, %dma_start3A_655] : memref<4096x200xi32, #tpu.memory_space<hbm>> -> memref<128x200xi32, #tpu.memory_space<hbm>>
      %dma_start3A_657 = arith.constant 0 : i32
      %dma_start3A_658 = tpu.memref_slice %arg2[%mul3A_2, %dma_start3A_657] : memref<4096x200xi32, #tpu.memory_space<hbm>> -> memref<128x200xi32, #tpu.memory_space<hbm>>
      tpu.enqueue_dma source(%dma_start3A_658 : memref<128x200xi32, #tpu.memory_space<hbm>>) target(%arg5 : memref<128x200xi32, #tpu.memory_space<vmem>>) target_semaphore(%run_scoped3A : memref<!tpu.dma_semaphore, #tpu.memory_space<semaphore_mem>>)
      %dma_wait3A_659 = arith.constant 0 : i32
      %dma_wait3A_660 = tpu.memref_slice %arg2[%mul3A_2, %dma_wait3A_659] : memref<4096x200xi32, #tpu.memory_space<hbm>> -> memref<128x200xi32, #tpu.memory_space<hbm>>
      %dma_wait3A_661 = arith.constant 0 : i32
      %dma_wait3A_662 = tpu.memref_slice %arg2[%mul3A_2, %dma_wait3A_661] : memref<4096x200xi32, #tpu.memory_space<hbm>> -> memref<128x200xi32, #tpu.memory_space<hbm>>
      tpu.wait_dma2 semaphore(%run_scoped3A : memref<!tpu.dma_semaphore, #tpu.memory_space<semaphore_mem>>) src(%dma_wait3A_662 : memref<128x200xi32, #tpu.memory_space<hbm>>) dst(%arg5 : memref<128x200xi32, #tpu.memory_space<vmem>>)
      tpu.yield
    }) : () -> ()
    "tpu.region"() ({
      %run_scoped3A = tpu.sem_alloc : memref<!tpu.dma_semaphore, #tpu.memory_space<semaphore_mem>>
      %dma_start3A_655 = arith.constant 0 : i32
      %dma_start3A_656 = arith.constant 0 : i32
      %dma_start3A_657 = tpu.memref_slice %arg3[%dma_start3A_655, %dma_start3A_656] : memref<100000x128xf32, #tpu.memory_space<hbm>> -> memref<1x128xf32, #tpu.memory_space<hbm>>
      %dma_start3A_658 = arith.constant 0 : i32
      %dma_start3A_659 = arith.constant 0 : i32
      %dma_start3A_660 = tpu.memref_slice %arg3[%dma_start3A_658, %dma_start3A_659] : memref<100000x128xf32, #tpu.memory_space<hbm>> -> memref<1x128xf32, #tpu.memory_space<hbm>>
      tpu.enqueue_dma source(%dma_start3A_660 : memref<1x128xf32, #tpu.memory_space<hbm>>) target(%arg8 : memref<1x128xf32, #tpu.memory_space<vmem>>) target_semaphore(%run_scoped3A : memref<!tpu.dma_semaphore, #tpu.memory_space<semaphore_mem>>)
      %dma_wait3A_661 = arith.constant 0 : i32
      %dma_wait3A_662 = arith.constant 0 : i32
      %dma_wait3A_663 = tpu.memref_slice %arg3[%dma_wait3A_661, %dma_wait3A_662] : memref<100000x128xf32, #tpu.memory_space<hbm>> -> memref<1x128xf32, #tpu.memory_space<hbm>>
      %dma_wait3A_664 = arith.constant 0 : i32
      %dma_wait3A_665 = arith.constant 0 : i32
      %dma_wait3A_666 = tpu.memref_slice %arg3[%dma_wait3A_664, %dma_wait3A_665] : memref<100000x128xf32, #tpu.memory_space<hbm>> -> memref<1x128xf32, #tpu.memory_space<hbm>>
      tpu.wait_dma2 semaphore(%run_scoped3A : memref<!tpu.dma_semaphore, #tpu.memory_space<semaphore_mem>>) src(%dma_wait3A_666 : memref<1x128xf32, #tpu.memory_space<hbm>>) dst(%arg8 : memref<1x128xf32, #tpu.memory_space<vmem>>)
      tpu.yield
    }) : () -> ()
    %get3A = arith.constant 0 : i32
    %get3A_3 = arith.index_cast %get3A : i32 to index
    %get3A_4 = arith.constant 0 : index
    %get3A_5 = tpu.vector_load %arg8[%get3A_3, %get3A_4] {strides = array<i32>} : memref<1x128xf32, #tpu.memory_space<vmem>>, vector<1x16xf32>,
    %get3A_6 = vector.shape_cast %get3A_5 : vector<1x16xf32> to vector<16xf32>
    %get3A_7 = arith.constant 0 : i32
    %get3A_8 = arith.index_cast %get3A_7 : i32 to index
    %get3A_9 = arith.constant 16 : index
    %get3A_10 = tpu.vector_load %arg8[%get3A_8, %get3A_9] {strides = array<i32>} : memref<1x128xf32, #tpu.memory_space<vmem>>, vector<1x16xf32>,
    %get3A_11 = vector.shape_cast %get3A_10 : vector<1x16xf32> to vector<16xf32>
    %get3A_12 = arith.constant 0 : i32
    %get3A_13 = arith.index_cast %get3A_12 : i32 to index
    %get3A_14 = arith.constant 32 : index
    %get3A_15 = tpu.vector_load %arg8[%get3A_13, %get3A_14] {strides = array<i32>} : memref<1x128xf32, #tpu.memory_space<vmem>>, vector<1x16xf32>,
    %get3A_16 = vector.shape_cast %get3A_15 : vector<1x16xf32> to vector<16xf32>
    %get3A_17 = arith.constant 0 : i32
    %get3A_18 = arith.index_cast %get3A_17 : i32 to index
    %get3A_19 = arith.constant 48 : index
    %get3A_20 = tpu.vector_load %arg8[%get3A_18, %get3A_19] {strides = array<i32>} : memref<1x128xf32, #tpu.memory_space<vmem>>, vector<1x16xf32>,
    %get3A_21 = vector.shape_cast %get3A_20 : vector<1x16xf32> to vector<16xf32>
    %get3A_22 = arith.constant 0 : i32
    %get3A_23 = arith.index_cast %get3A_22 : i32 to index
    %get3A_24 = arith.constant 64 : index
    %get3A_25 = tpu.vector_load %arg8[%get3A_23, %get3A_24] {strides = array<i32>} : memref<1x128xf32, #tpu.memory_space<vmem>>, vector<1x16xf32>,
    %get3A_26 = vector.shape_cast %get3A_25 : vector<1x16xf32> to vector<16xf32>
    %get3A_27 = arith.constant 0 : i32
    %get3A_28 = arith.index_cast %get3A_27 : i32 to index
    %get3A_29 = arith.constant 80 : index
    %get3A_30 = tpu.vector_load %arg8[%get3A_28, %get3A_29] {strides = array<i32>} : memref<1x128xf32, #tpu.memory_space<vmem>>, vector<1x16xf32>,
    %get3A_31 = vector.shape_cast %get3A_30 : vector<1x16xf32> to vector<16xf32>
    %get3A_32 = arith.constant 0 : i32
    %get3A_33 = arith.index_cast %get3A_32 : i32 to index
    %get3A_34 = arith.constant 96 : index
    %get3A_35 = tpu.vector_load %arg8[%get3A_33, %get3A_34] {strides = array<i32>} : memref<1x128xf32, #tpu.memory_space<vmem>>, vector<1x16xf32>,
    %get3A_36 = vector.shape_cast %get3A_35 : vector<1x16xf32> to vector<16xf32>
    %get3A_37 = arith.constant 0 : i32
    %get3A_38 = arith.index_cast %get3A_37 : i32 to index
    %get3A_39 = arith.constant 112 : index
    %get3A_40 = tpu.vector_load %arg8[%get3A_38, %get3A_39] {strides = array<i32>} : memref<1x128xf32, #tpu.memory_space<vmem>>, vector<1x16xf32>,
    %get3A_41 = vector.shape_cast %get3A_40 : vector<1x16xf32> to vector<16xf32>
    %iota3A = tpu.iota {dimensions = array<i32: 0>} : vector<16xi32>
    %sub3A = arith.constant 23 : i32
    %sub3A_42 = vector.broadcast %sub3A : i32 to vector<16xi32>
    %sub3A_43 = arith.subi %iota3A, %sub3A_42 : vector<16xi32>
    %max3A = arith.constant 0 : i32
    %max3A_44 = vector.broadcast %max3A : i32 to vector<16xi32>
    %max3A_45 = arith.maxsi %sub3A_43, %max3A_44 : vector<16xi32>
    %min3A = arith.constant 1 : i32
    %min3A_46 = vector.broadcast %min3A : i32 to vector<16xi32>
    %min3A_47 = arith.minsi %max3A_45, %min3A_46 : vector<16xi32>
    %dma_start3A = arith.constant 0 : i32
    %dma_start3A_48 = arith.constant 0 : i32
    %dma_start3A_49 = arith.constant 0 : i32
    %dma_start3A_50 = tpu.memref_slice %arg6[%dma_start3A_48, %dma_start3A_49] : memref<200x128xf32, #tpu.memory_space<vmem>> -> memref<128x128xf32, #tpu.memory_space<vmem>>
    %dma_start3A_51 = arith.constant 0 : i32
    %dma_start3A_52 = tpu.memref_slice %arg5[%dma_start3A, %dma_start3A_51] : memref<128x200xi32, #tpu.memory_space<vmem>> -> memref<1x128xi32, #tpu.memory_space<vmem>>
    %dma_start3A_53 = tpu.memref_squeeze %dma_start3A_52 : memref<1x128xi32, #tpu.memory_space<vmem>> -> memref<128xi32, #tpu.memory_space<vmem>>
    %dma_start3A_54 = arith.constant 0 : i32
    %dma_start3A_55 = arith.constant 0 : i32
    %dma_start3A_56 = tpu.memref_slice %arg3[%dma_start3A_54, %dma_start3A_55] : memref<100000x128xf32, #tpu.memory_space<hbm>> -> memref<100000x128xf32, #tpu.memory_space<hbm>>
    tpu.enqueue_indirect_dma source(%dma_start3A_56 : memref<100000x128xf32, #tpu.memory_space<hbm>>) target(%dma_start3A_50 : memref<128x128xf32, #tpu.memory_space<vmem>>) offsets(%dma_start3A_53 : memref<128xi32, #tpu.memory_space<vmem>>) semaphore(%arg10 : memref<!tpu.dma_semaphore, #tpu.memory_space<semaphore_mem>>)
    %dma_start3A_57 = arith.constant 0 : i32
    %dma_start3A_58 = arith.constant 128 : i32
    %dma_start3A_59 = arith.constant 0 : i32
    %dma_start3A_60 = tpu.memref_slice %arg6[%dma_start3A_58, %dma_start3A_59] : memref<200x128xf32, #tpu.memory_space<vmem>> -> memref<72x128xf32, #tpu.memory_space<vmem>>
    %dma_start3A_61 = arith.constant 128 : i32
    %dma_start3A_62 = tpu.memref_slice %arg5[%dma_start3A_57, %dma_start3A_61] : memref<128x200xi32, #tpu.memory_space<vmem>> -> memref<1x72xi32, #tpu.memory_space<vmem>>
    %dma_start3A_63 = tpu.memref_squeeze %dma_start3A_62 : memref<1x72xi32, #tpu.memory_space<vmem>> -> memref<72xi32, #tpu.memory_space<vmem>>
    %dma_start3A_64 = arith.constant 0 : i32
    %dma_start3A_65 = arith.constant 0 : i32
    %dma_start3A_66 = tpu.memref_slice %arg3[%dma_start3A_64, %dma_start3A_65] : memref<100000x128xf32, #tpu.memory_space<hbm>> -> memref<100000x128xf32, #tpu.memory_space<hbm>>
    tpu.enqueue_indirect_dma source(%dma_start3A_66 : memref<100000x128xf32, #tpu.memory_space<hbm>>) target(%dma_start3A_60 : memref<72x128xf32, #tpu.memory_space<vmem>>) offsets(%dma_start3A_63 : memref<72xi32, #tpu.memory_space<vmem>>) semaphore(%arg10 : memref<!tpu.dma_semaphore, #tpu.memory_space<semaphore_mem>>)
    %dma_start3A_67 = arith.constant 1 : i32
    %dma_start3A_68 = arith.constant 0 : i32
    %dma_start3A_69 = arith.constant 0 : i32
    %dma_start3A_70 = tpu.memref_slice %arg7[%dma_start3A_68, %dma_start3A_69] : memref<200x128xf32, #tpu.memory_space<vmem>> -> memref<128x128xf32, #tpu.memory_space<vmem>>
    %dma_start3A_71 = arith.constant 0 : i32
    %dma_start3A_72 = tpu.memref_slice %arg5[%dma_start3A_67, %dma_start3A_71] : memref<128x200xi32, #tpu.memory_space<vmem>> -> memref<1x128xi32, #tpu.memory_space<vmem>>
    %dma_start3A_73 = tpu.memref_squeeze %dma_start3A_72 : memref<1x128xi32, #tpu.memory_space<vmem>> -> memref<128xi32, #tpu.memory_space<vmem>>
    %dma_start3A_74 = arith.constant 0 : i32
    %dma_start3A_75 = arith.constant 0 : i32
    %dma_start3A_76 = tpu.memref_slice %arg3[%dma_start3A_74, %dma_start3A_75] : memref<100000x128xf32, #tpu.memory_space<hbm>> -> memref<100000x128xf32, #tpu.memory_space<hbm>>
    tpu.enqueue_indirect_dma source(%dma_start3A_76 : memref<100000x128xf32, #tpu.memory_space<hbm>>) target(%dma_start3A_70 : memref<128x128xf32, #tpu.memory_space<vmem>>) offsets(%dma_start3A_73 : memref<128xi32, #tpu.memory_space<vmem>>) semaphore(%arg11 : memref<!tpu.dma_semaphore, #tpu.memory_space<semaphore_mem>>)
    %dma_start3A_77 = arith.constant 1 : i32
    %dma_start3A_78 = arith.constant 128 : i32
    %dma_start3A_79 = arith.constant 0 : i32
    %dma_start3A_80 = tpu.memref_slice %arg7[%dma_start3A_78, %dma_start3A_79] : memref<200x128xf32, #tpu.memory_space<vmem>> -> memref<72x128xf32, #tpu.memory_space<vmem>>
    %dma_start3A_81 = arith.constant 128 : i32
    %dma_start3A_82 = tpu.memref_slice %arg5[%dma_start3A_77, %dma_start3A_81] : memref<128x200xi32, #tpu.memory_space<vmem>> -> memref<1x72xi32, #tpu.memory_space<vmem>>
    %dma_start3A_83 = tpu.memref_squeeze %dma_start3A_82 : memref<1x72xi32, #tpu.memory_space<vmem>> -> memref<72xi32, #tpu.memory_space<vmem>>
    %dma_start3A_84 = arith.constant 0 : i32
    %dma_start3A_85 = arith.constant 0 : i32
    %dma_start3A_86 = tpu.memref_slice %arg3[%dma_start3A_84, %dma_start3A_85] : memref<100000x128xf32, #tpu.memory_space<hbm>> -> memref<100000x128xf32, #tpu.memory_space<hbm>>
    tpu.enqueue_indirect_dma source(%dma_start3A_86 : memref<100000x128xf32, #tpu.memory_space<hbm>>) target(%dma_start3A_80 : memref<72x128xf32, #tpu.memory_space<vmem>>) offsets(%dma_start3A_83 : memref<72xi32, #tpu.memory_space<vmem>>) semaphore(%arg11 : memref<!tpu.dma_semaphore, #tpu.memory_space<semaphore_mem>>)
    %scan3A = arith.constant 0 : i32
    %scan3A_87 = arith.constant 0 : i32
    %scan3A_88 = arith.constant 63 : i32
    %scan3A_89 = arith.addi %scan3A_87, %scan3A_88 : i32
    %scan3A_90 = arith.constant 1 : i32
    scf.for %scan3A_655 = %scan3A_87 to %scan3A_89 step %scan3A_90  : i32 {
      %mul3A_656 = arith.constant 2 : i32
      %mul3A_657 = arith.muli %mul3A_656, %scan3A_655 : i32
      %dma_wait3A_658 = arith.constant 0 : i32
      %dma_wait3A_659 = arith.constant 0 : i32
      %dma_wait3A_660 = tpu.memref_slice %arg3[%dma_wait3A_658, %dma_wait3A_659] : memref<100000x128xf32, #tpu.memory_space<hbm>> -> memref<200x128xf32, #tpu.memory_space<hbm>>
      %dma_wait3A_661 = arith.constant 0 : i32
      %dma_wait3A_662 = arith.constant 0 : i32
      %dma_wait3A_663 = tpu.memref_slice %arg3[%dma_wait3A_661, %dma_wait3A_662] : memref<100000x128xf32, #tpu.memory_space<hbm>> -> memref<200x128xf32, #tpu.memory_space<hbm>>
      tpu.wait_dma2 semaphore(%arg10 : memref<!tpu.dma_semaphore, #tpu.memory_space<semaphore_mem>>) src(%dma_wait3A_663 : memref<200x128xf32, #tpu.memory_space<hbm>>) dst(%arg6 : memref<200x128xf32, #tpu.memory_space<vmem>>)
      %broadcast_in_dim3A_664 = arith.constant 0 : i32
      %broadcast_in_dim3A_665 = vector.broadcast %broadcast_in_dim3A_664 : i32 to vector<16xi32>
      %get3A_666 = arith.index_cast %mul3A_657 : i32 to index
      %get3A_667 = arith.constant 0 : index
      %get3A_668 = tpu.vector_load %arg5[%get3A_666, %get3A_667] {strides = array<i32>} : memref<128x200xi32, #tpu.memory_space<vmem>>, vector<1x16xi32>,
      %get3A_669 = vector.shape_cast %get3A_668 : vector<1x16xi32> to vector<16xi32>
      %min3A_670 = arith.constant 1 : i32
      %min3A_671 = vector.broadcast %min3A_670 : i32 to vector<16xi32>
      %min3A_672 = arith.minsi %get3A_669, %min3A_671 : vector<16xi32>
      %add3A_673 = arith.addi %broadcast_in_dim3A_665, %min3A_672 : vector<16xi32>
      %get3A_674 = arith.index_cast %mul3A_657 : i32 to index
      %get3A_675 = arith.constant 16 : index
      %get3A_676 = tpu.vector_load %arg5[%get3A_674, %get3A_675] {strides = array<i32>} : memref<128x200xi32, #tpu.memory_space<vmem>>, vector<1x16xi32>,
      %get3A_677 = vector.shape_cast %get3A_676 : vector<1x16xi32> to vector<16xi32>
      %min3A_678 = arith.constant 1 : i32
      %min3A_679 = vector.broadcast %min3A_678 : i32 to vector<16xi32>
      %min3A_680 = arith.minsi %get3A_677, %min3A_679 : vector<16xi32>
      %add3A_681 = arith.addi %add3A_673, %min3A_680 : vector<16xi32>
      %get3A_682 = arith.index_cast %mul3A_657 : i32 to index
      %get3A_683 = arith.constant 32 : index
      %get3A_684 = tpu.vector_load %arg5[%get3A_682, %get3A_683] {strides = array<i32>} : memref<128x200xi32, #tpu.memory_space<vmem>>, vector<1x16xi32>,
      %get3A_685 = vector.shape_cast %get3A_684 : vector<1x16xi32> to vector<16xi32>
      %min3A_686 = arith.constant 1 : i32
      %min3A_687 = vector.broadcast %min3A_686 : i32 to vector<16xi32>
      %min3A_688 = arith.minsi %get3A_685, %min3A_687 : vector<16xi32>
      %add3A_689 = arith.addi %add3A_681, %min3A_688 : vector<16xi32>
      %get3A_690 = arith.index_cast %mul3A_657 : i32 to index
      %get3A_691 = arith.constant 48 : index
      %get3A_692 = tpu.vector_load %arg5[%get3A_690, %get3A_691] {strides = array<i32>} : memref<128x200xi32, #tpu.memory_space<vmem>>, vector<1x16xi32>,
      %get3A_693 = vector.shape_cast %get3A_692 : vector<1x16xi32> to vector<16xi32>
      %min3A_694 = arith.constant 1 : i32
      %min3A_695 = vector.broadcast %min3A_694 : i32 to vector<16xi32>
      %min3A_696 = arith.minsi %get3A_693, %min3A_695 : vector<16xi32>
      %add3A_697 = arith.addi %add3A_689, %min3A_696 : vector<16xi32>
      %get3A_698 = arith.index_cast %mul3A_657 : i32 to index
      %get3A_699 = arith.constant 64 : index
      %get3A_700 = tpu.vector_load %arg5[%get3A_698, %get3A_699] {strides = array<i32>} : memref<128x200xi32, #tpu.memory_space<vmem>>, vector<1x16xi32>,
      %get3A_701 = vector.shape_cast %get3A_700 : vector<1x16xi32> to vector<16xi32>
      %min3A_702 = arith.constant 1 : i32
      %min3A_703 = vector.broadcast %min3A_702 : i32 to vector<16xi32>
      %min3A_704 = arith.minsi %get3A_701, %min3A_703 : vector<16xi32>
      %add3A_705 = arith.addi %add3A_697, %min3A_704 : vector<16xi32>
      %get3A_706 = arith.index_cast %mul3A_657 : i32 to index
      %get3A_707 = arith.constant 80 : index
      %get3A_708 = tpu.vector_load %arg5[%get3A_706, %get3A_707] {strides = array<i32>} : memref<128x200xi32, #tpu.memory_space<vmem>>, vector<1x16xi32>,
      %get3A_709 = vector.shape_cast %get3A_708 : vector<1x16xi32> to vector<16xi32>
      %min3A_710 = arith.constant 1 : i32
      %min3A_711 = vector.broadcast %min3A_710 : i32 to vector<16xi32>
      %min3A_712 = arith.minsi %get3A_709, %min3A_711 : vector<16xi32>
      %add3A_713 = arith.addi %add3A_705, %min3A_712 : vector<16xi32>
      %get3A_714 = arith.index_cast %mul3A_657 : i32 to index
      %get3A_715 = arith.constant 96 : index
      %get3A_716 = tpu.vector_load %arg5[%get3A_714, %get3A_715] {strides = array<i32>} : memref<128x200xi32, #tpu.memory_space<vmem>>, vector<1x16xi32>,
      %get3A_717 = vector.shape_cast %get3A_716 : vector<1x16xi32> to vector<16xi32>
      %min3A_718 = arith.constant 1 : i32
      %min3A_719 = vector.broadcast %min3A_718 : i32 to vector<16xi32>
      %min3A_720 = arith.minsi %get3A_717, %min3A_719 : vector<16xi32>
      %add3A_721 = arith.addi %add3A_713, %min3A_720 : vector<16xi32>
      %get3A_722 = arith.index_cast %mul3A_657 : i32 to index
      %get3A_723 = arith.constant 112 : index
      %get3A_724 = tpu.vector_load %arg5[%get3A_722, %get3A_723] {strides = array<i32>} : memref<128x200xi32, #tpu.memory_space<vmem>>, vector<1x16xi32>,
      %get3A_725 = vector.shape_cast %get3A_724 : vector<1x16xi32> to vector<16xi32>
      %min3A_726 = arith.constant 1 : i32
      %min3A_727 = vector.broadcast %min3A_726 : i32 to vector<16xi32>
      %min3A_728 = arith.minsi %get3A_725, %min3A_727 : vector<16xi32>
      %add3A_729 = arith.addi %add3A_721, %min3A_728 : vector<16xi32>
      %get3A_730 = arith.index_cast %mul3A_657 : i32 to index
      %get3A_731 = arith.constant 128 : index
      %get3A_732 = tpu.vector_load %arg5[%get3A_730, %get3A_731] {strides = array<i32>} : memref<128x200xi32, #tpu.memory_space<vmem>>, vector<1x16xi32>,
      %get3A_733 = vector.shape_cast %get3A_732 : vector<1x16xi32> to vector<16xi32>
      %min3A_734 = arith.constant 1 : i32
      %min3A_735 = vector.broadcast %min3A_734 : i32 to vector<16xi32>
      %min3A_736 = arith.minsi %get3A_733, %min3A_735 : vector<16xi32>
      %add3A_737 = arith.addi %add3A_729, %min3A_736 : vector<16xi32>
      %get3A_738 = arith.index_cast %mul3A_657 : i32 to index
      %get3A_739 = arith.constant 144 : index
      %get3A_740 = tpu.vector_load %arg5[%get3A_738, %get3A_739] {strides = array<i32>} : memref<128x200xi32, #tpu.memory_space<vmem>>, vector<1x16xi32>,
      %get3A_741 = vector.shape_cast %get3A_740 : vector<1x16xi32> to vector<16xi32>
      %min3A_742 = arith.constant 1 : i32
      %min3A_743 = vector.broadcast %min3A_742 : i32 to vector<16xi32>
      %min3A_744 = arith.minsi %get3A_741, %min3A_743 : vector<16xi32>
      %add3A_745 = arith.addi %add3A_737, %min3A_744 : vector<16xi32>
      %get3A_746 = arith.index_cast %mul3A_657 : i32 to index
      %get3A_747 = arith.constant 160 : index
      %get3A_748 = tpu.vector_load %arg5[%get3A_746, %get3A_747] {strides = array<i32>} : memref<128x200xi32, #tpu.memory_space<vmem>>, vector<1x16xi32>,
      %get3A_749 = vector.shape_cast %get3A_748 : vector<1x16xi32> to vector<16xi32>
      %min3A_750 = arith.constant 1 : i32
      %min3A_751 = vector.broadcast %min3A_750 : i32 to vector<16xi32>
      %min3A_752 = arith.minsi %get3A_749, %min3A_751 : vector<16xi32>
      %add3A_753 = arith.addi %add3A_745, %min3A_752 : vector<16xi32>
      %get3A_754 = arith.index_cast %mul3A_657 : i32 to index
      %get3A_755 = arith.constant 176 : index
      %get3A_756 = tpu.vector_load %arg5[%get3A_754, %get3A_755] {strides = array<i32>} : memref<128x200xi32, #tpu.memory_space<vmem>>, vector<1x16xi32>,
      %get3A_757 = vector.shape_cast %get3A_756 : vector<1x16xi32> to vector<16xi32>
      %min3A_758 = arith.constant 1 : i32
      %min3A_759 = vector.broadcast %min3A_758 : i32 to vector<16xi32>
      %min3A_760 = arith.minsi %get3A_757, %min3A_759 : vector<16xi32>
      %add3A_761 = arith.addi %add3A_753, %min3A_760 : vector<16xi32>
      %get3A_762 = arith.index_cast %mul3A_657 : i32 to index
      %get3A_763 = arith.constant 184 : index
      %get3A_764 = tpu.vector_load %arg5[%get3A_762, %get3A_763] {strides = array<i32>} : memref<128x200xi32, #tpu.memory_space<vmem>>, vector<1x16xi32>,
      %get3A_765 = vector.shape_cast %get3A_764 : vector<1x16xi32> to vector<16xi32>
      %min3A_766 = arith.constant 1 : i32
      %min3A_767 = vector.broadcast %min3A_766 : i32 to vector<16xi32>
      %min3A_768 = arith.minsi %get3A_765, %min3A_767 : vector<16xi32>
      %mul3A_769 = arith.muli %min3A_768, %min3A_47 : vector<16xi32>
      %add3A_770 = arith.addi %add3A_761, %mul3A_769 : vector<16xi32>
      %convert_element_type3A_771 = arith.sitofp %add3A_770 : vector<16xi32> to vector<16xf32>
      %xor3A_772 = arith.constant 8 : i32
      %xor3A_773 = vector.broadcast %xor3A_772 : i32 to vector<16xi32>
      %xor3A_774 = arith.xori %iota3A, %xor3A_773 : vector<16xi32>
      %lt3A_775 = arith.constant 0 : i32
      %lt3A_776 = vector.broadcast %lt3A_775 : i32 to vector<16xi32>
      %lt3A_777 = arith.cmpi slt, %xor3A_774, %lt3A_776 : vector<16xi32>
      %add3A_778 = arith.constant 16 : i32
      %add3A_779 = vector.broadcast %add3A_778 : i32 to vector<16xi32>
      %add3A_780 = arith.addi %xor3A_774, %add3A_779 : vector<16xi32>
      %select_n3A_781 = arith.select %lt3A_777, %add3A_780, %xor3A_774 : vector<16xi1>, vector<16xi32>
      %broadcast_in_dim3A_782 = vector.shape_cast %select_n3A_781 : vector<16xi32> to vector<16x1xi32>
      %gather3A_783 = vector.shape_cast %broadcast_in_dim3A_782 : vector<16x1xi32> to vector<16xi32>
      %gather3A_784 = tpu.dynamic_gather %convert_element_type3A_771[%gather3A_783] in [0] : vector<16xf32>, vector<16xi32> -> vector<16xf32>
      %add3A_785 = arith.addf %convert_element_type3A_771, %gather3A_784 : vector<16xf32>
      %xor3A_786 = arith.constant 4 : i32
      %xor3A_787 = vector.broadcast %xor3A_786 : i32 to vector<16xi32>
      %xor3A_788 = arith.xori %iota3A, %xor3A_787 : vector<16xi32>
      %lt3A_789 = arith.constant 0 : i32
      %lt3A_790 = vector.broadcast %lt3A_789 : i32 to vector<16xi32>
      %lt3A_791 = arith.cmpi slt, %xor3A_788, %lt3A_790 : vector<16xi32>
      %add3A_792 = arith.constant 16 : i32
      %add3A_793 = vector.broadcast %add3A_792 : i32 to vector<16xi32>
      %add3A_794 = arith.addi %xor3A_788, %add3A_793 : vector<16xi32>
      %select_n3A_795 = arith.select %lt3A_791, %add3A_794, %xor3A_788 : vector<16xi1>, vector<16xi32>
      %broadcast_in_dim3A_796 = vector.shape_cast %select_n3A_795 : vector<16xi32> to vector<16x1xi32>
      %gather3A_797 = vector.shape_cast %broadcast_in_dim3A_796 : vector<16x1xi32> to vector<16xi32>
      %gather3A_798 = tpu.dynamic_gather %add3A_785[%gather3A_797] in [0] : vector<16xf32>, vector<16xi32> -> vector<16xf32>
      %add3A_799 = arith.addf %add3A_785, %gather3A_798 : vector<16xf32>
      %xor3A_800 = arith.constant 2 : i32
      %xor3A_801 = vector.broadcast %xor3A_800 : i32 to vector<16xi32>
      %xor3A_802 = arith.xori %iota3A, %xor3A_801 : vector<16xi32>
      %lt3A_803 = arith.constant 0 : i32
      %lt3A_804 = vector.broadcast %lt3A_803 : i32 to vector<16xi32>
      %lt3A_805 = arith.cmpi slt, %xor3A_802, %lt3A_804 : vector<16xi32>
      %add3A_806 = arith.constant 16 : i32
      %add3A_807 = vector.broadcast %add3A_806 : i32 to vector<16xi32>
      %add3A_808 = arith.addi %xor3A_802, %add3A_807 : vector<16xi32>
      %select_n3A_809 = arith.select %lt3A_805, %add3A_808, %xor3A_802 : vector<16xi1>, vector<16xi32>
      %broadcast_in_dim3A_810 = vector.shape_cast %select_n3A_809 : vector<16xi32> to vector<16x1xi32>
      %gather3A_811 = vector.shape_cast %broadcast_in_dim3A_810 : vector<16x1xi32> to vector<16xi32>
      %gather3A_812 = tpu.dynamic_gather %add3A_799[%gather3A_811] in [0] : vector<16xf32>, vector<16xi32> -> vector<16xf32>
      %add3A_813 = arith.addf %add3A_799, %gather3A_812 : vector<16xf32>
      %xor3A_814 = arith.constant 1 : i32
      %xor3A_815 = vector.broadcast %xor3A_814 : i32 to vector<16xi32>
      %xor3A_816 = arith.xori %iota3A, %xor3A_815 : vector<16xi32>
      %lt3A_817 = arith.constant 0 : i32
      %lt3A_818 = vector.broadcast %lt3A_817 : i32 to vector<16xi32>
      %lt3A_819 = arith.cmpi slt, %xor3A_816, %lt3A_818 : vector<16xi32>
      %add3A_820 = arith.constant 16 : i32
      %add3A_821 = vector.broadcast %add3A_820 : i32 to vector<16xi32>
      %add3A_822 = arith.addi %xor3A_816, %add3A_821 : vector<16xi32>
      %select_n3A_823 = arith.select %lt3A_819, %add3A_822, %xor3A_816 : vector<16xi1>, vector<16xi32>
      %broadcast_in_dim3A_824 = vector.shape_cast %select_n3A_823 : vector<16xi32> to vector<16x1xi32>
      %gather3A_825 = vector.shape_cast %broadcast_in_dim3A_824 : vector<16x1xi32> to vector<16xi32>
      %gather3A_826 = tpu.dynamic_gather %add3A_813[%gather3A_825] in [0] : vector<16xf32>, vector<16xi32> -> vector<16xf32>
      %add3A_827 = arith.addf %add3A_813, %gather3A_826 : vector<16xf32>
      %sub3A_828 = arith.constant 2.000000e+02 : f32
      %sub3A_829 = vector.broadcast %sub3A_828 : f32 to vector<16xf32>
      %sub3A_830 = arith.subf %sub3A_829, %add3A_827 : vector<16xf32>
      %max3A_831 = arith.constant 1.000000e+00 : f32
      %max3A_832 = vector.broadcast %max3A_831 : f32 to vector<16xf32>
      %max3A_833 = arith.maximumf %add3A_827, %max3A_832 : vector<16xf32>
      %div3A_834 = arith.constant 1.000000e+00 : f32
      %div3A_835 = vector.broadcast %div3A_834 : f32 to vector<16xf32>
      %div3A_836 = arith.divf %div3A_835, %max3A_833 : vector<16xf32>
      %broadcast_in_dim3A_837 = arith.constant 0.000000e+00 : f32
      %broadcast_in_dim3A_838 = vector.broadcast %broadcast_in_dim3A_837 : f32 to vector<16xf32>
      %broadcast_in_dim3A_839 = arith.constant 0.000000e+00 : f32
      %broadcast_in_dim3A_840 = vector.broadcast %broadcast_in_dim3A_839 : f32 to vector<16xf32>
      %broadcast_in_dim3A_841 = arith.constant 0.000000e+00 : f32
      %broadcast_in_dim3A_842 = vector.broadcast %broadcast_in_dim3A_841 : f32 to vector<16xf32>
      %broadcast_in_dim3A_843 = arith.constant 0.000000e+00 : f32
      %broadcast_in_dim3A_844 = vector.broadcast %broadcast_in_dim3A_843 : f32 to vector<16xf32>
      %broadcast_in_dim3A_845 = arith.constant 0.000000e+00 : f32
      %broadcast_in_dim3A_846 = vector.broadcast %broadcast_in_dim3A_845 : f32 to vector<16xf32>
      %broadcast_in_dim3A_847 = arith.constant 0.000000e+00 : f32
      %broadcast_in_dim3A_848 = vector.broadcast %broadcast_in_dim3A_847 : f32 to vector<16xf32>
      %broadcast_in_dim3A_849 = arith.constant 0.000000e+00 : f32
      %broadcast_in_dim3A_850 = vector.broadcast %broadcast_in_dim3A_849 : f32 to vector<16xf32>
      %broadcast_in_dim3A_851 = arith.constant 0.000000e+00 : f32
      %broadcast_in_dim3A_852 = vector.broadcast %broadcast_in_dim3A_851 : f32 to vector<16xf32>
      %scan3A_853 = arith.constant 0 : i32
      %scan3A_854 = arith.constant 200 : i32
      %scan3A_855 = arith.addi %scan3A_853, %scan3A_854 : i32
      %scan3A_856 = arith.constant 1 : i32
      %scan3A_857:8 = scf.for %scan3A_1230 = %scan3A_853 to %scan3A_855 step %scan3A_856 iter_args(%scan3A_1231 = %broadcast_in_dim3A_838, %scan3A_1232 = %broadcast_in_dim3A_840, %scan3A_1233 = %broadcast_in_dim3A_842, %scan3A_1234 = %broadcast_in_dim3A_844, %scan3A_1235 = %broadcast_in_dim3A_846, %scan3A_1236 = %broadcast_in_dim3A_848, %scan3A_1237 = %broadcast_in_dim3A_850, %scan3A_1238 = %broadcast_in_dim3A_852) -> (vector<16xf32>, vector<16xf32>, vector<16xf32>, vector<16xf32>, vector<16xf32>, vector<16xf32>, vector<16xf32>, vector<16xf32>)  : i32 {
        %get3A_1239 = arith.index_cast %scan3A_1230 : i32 to index
        %get3A_1240 = arith.constant 0 : index
        %get3A_1241 = tpu.vector_load %arg6[%get3A_1239, %get3A_1240] {strides = array<i32>} : memref<200x128xf32, #tpu.memory_space<vmem>>, vector<1x16xf32>,
        %get3A_1242 = vector.shape_cast %get3A_1241 : vector<1x16xf32> to vector<16xf32>
        %add3A_1243 = arith.addf %scan3A_1231, %get3A_1242 : vector<16xf32>
        %get3A_1244 = arith.index_cast %scan3A_1230 : i32 to index
        %get3A_1245 = arith.constant 16 : index
        %get3A_1246 = tpu.vector_load %arg6[%get3A_1244, %get3A_1245] {strides = array<i32>} : memref<200x128xf32, #tpu.memory_space<vmem>>, vector<1x16xf32>,
        %get3A_1247 = vector.shape_cast %get3A_1246 : vector<1x16xf32> to vector<16xf32>
        %add3A_1248 = arith.addf %scan3A_1232, %get3A_1247 : vector<16xf32>
        %get3A_1249 = arith.index_cast %scan3A_1230 : i32 to index
        %get3A_1250 = arith.constant 32 : index
        %get3A_1251 = tpu.vector_load %arg6[%get3A_1249, %get3A_1250] {strides = array<i32>} : memref<200x128xf32, #tpu.memory_space<vmem>>, vector<1x16xf32>,
        %get3A_1252 = vector.shape_cast %get3A_1251 : vector<1x16xf32> to vector<16xf32>
        %add3A_1253 = arith.addf %scan3A_1233, %get3A_1252 : vector<16xf32>
        %get3A_1254 = arith.index_cast %scan3A_1230 : i32 to index
        %get3A_1255 = arith.constant 48 : index
        %get3A_1256 = tpu.vector_load %arg6[%get3A_1254, %get3A_1255] {strides = array<i32>} : memref<200x128xf32, #tpu.memory_space<vmem>>, vector<1x16xf32>,
        %get3A_1257 = vector.shape_cast %get3A_1256 : vector<1x16xf32> to vector<16xf32>
        %add3A_1258 = arith.addf %scan3A_1234, %get3A_1257 : vector<16xf32>
        %get3A_1259 = arith.index_cast %scan3A_1230 : i32 to index
        %get3A_1260 = arith.constant 64 : index
        %get3A_1261 = tpu.vector_load %arg6[%get3A_1259, %get3A_1260] {strides = array<i32>} : memref<200x128xf32, #tpu.memory_space<vmem>>, vector<1x16xf32>,
        %get3A_1262 = vector.shape_cast %get3A_1261 : vector<1x16xf32> to vector<16xf32>
        %add3A_1263 = arith.addf %scan3A_1235, %get3A_1262 : vector<16xf32>
        %get3A_1264 = arith.index_cast %scan3A_1230 : i32 to index
        %get3A_1265 = arith.constant 80 : index
        %get3A_1266 = tpu.vector_load %arg6[%get3A_1264, %get3A_1265] {strides = array<i32>} : memref<200x128xf32, #tpu.memory_space<vmem>>, vector<1x16xf32>,
        %get3A_1267 = vector.shape_cast %get3A_1266 : vector<1x16xf32> to vector<16xf32>
        %add3A_1268 = arith.addf %scan3A_1236, %get3A_1267 : vector<16xf32>
        %get3A_1269 = arith.index_cast %scan3A_1230 : i32 to index
        %get3A_1270 = arith.constant 96 : index
        %get3A_1271 = tpu.vector_load %arg6[%get3A_1269, %get3A_1270] {strides = array<i32>} : memref<200x128xf32, #tpu.memory_space<vmem>>, vector<1x16xf32>,
        %get3A_1272 = vector.shape_cast %get3A_1271 : vector<1x16xf32> to vector<16xf32>
        %add3A_1273 = arith.addf %scan3A_1237, %get3A_1272 : vector<16xf32>
        %get3A_1274 = arith.index_cast %scan3A_1230 : i32 to index
        %get3A_1275 = arith.constant 112 : index
        %get3A_1276 = tpu.vector_load %arg6[%get3A_1274, %get3A_1275] {strides = array<i32>} : memref<200x128xf32, #tpu.memory_space<vmem>>, vector<1x16xf32>,
        %get3A_1277 = vector.shape_cast %get3A_1276 : vector<1x16xf32> to vector<16xf32>
        %add3A_1278 = arith.addf %scan3A_1238, %get3A_1277 : vector<16xf32>
        scf.yield %add3A_1243, %add3A_1248, %add3A_1253, %add3A_1258, %add3A_1263, %add3A_1268, %add3A_1273, %add3A_1278 : vector<16xf32>, vector<16xf32>, vector<16xf32>, vector<16xf32>, vector<16xf32>, vector<16xf32>, vector<16xf32>, vector<16xf32>
      }
      %scan3A_858 = arith.constant 200 : i32
      %mul3A_859 = arith.mulf %sub3A_830, %get3A_6 : vector<16xf32>
      %sub3A_860 = arith.subf %scan3A_857#0, %mul3A_859 : vector<16xf32>
      %mul3A_861 = arith.mulf %sub3A_860, %div3A_836 : vector<16xf32>
      %swap3A_862 = arith.index_cast %mul3A_657 : i32 to index
      %swap3A_863 = arith.constant 0 : index
      %swap3A_864 = tpu.vector_load %arg9[%swap3A_862, %swap3A_863] {strides = array<i32>} : memref<128x128xf32, #tpu.memory_space<vmem>>, vector<1x16xf32>,
      %swap3A_865 = vector.shape_cast %swap3A_864 : vector<1x16xf32> to vector<16xf32>
      %swap3A_866 = vector.shape_cast %mul3A_861 : vector<16xf32> to vector<1x16xf32>
      tpu.vector_store %arg9[%swap3A_862, %swap3A_863], %swap3A_866 {strides = array<i32>} : memref<128x128xf32, #tpu.memory_space<vmem>>, vector<1x16xf32>,
      %mul3A_867 = arith.mulf %sub3A_830, %get3A_11 : vector<16xf32>
      %sub3A_868 = arith.subf %scan3A_857#1, %mul3A_867 : vector<16xf32>
      %mul3A_869 = arith.mulf %sub3A_868, %div3A_836 : vector<16xf32>
      %swap3A_870 = arith.index_cast %mul3A_657 : i32 to index
      %swap3A_871 = arith.constant 16 : index
      %swap3A_872 = tpu.vector_load %arg9[%swap3A_870, %swap3A_871] {strides = array<i32>} : memref<128x128xf32, #tpu.memory_space<vmem>>, vector<1x16xf32>,
      %swap3A_873 = vector.shape_cast %swap3A_872 : vector<1x16xf32> to vector<16xf32>
      %swap3A_874 = vector.shape_cast %mul3A_869 : vector<16xf32> to vector<1x16xf32>
      tpu.vector_store %arg9[%swap3A_870, %swap3A_871], %swap3A_874 {strides = array<i32>} : memref<128x128xf32, #tpu.memory_space<vmem>>, vector<1x16xf32>,
      %mul3A_875 = arith.mulf %sub3A_830, %get3A_16 : vector<16xf32>
      %sub3A_876 = arith.subf %scan3A_857#2, %mul3A_875 : vector<16xf32>
      %mul3A_877 = arith.mulf %sub3A_876, %div3A_836 : vector<16xf32>
      %swap3A_878 = arith.index_cast %mul3A_657 : i32 to index
      %swap3A_879 = arith.constant 32 : index
      %swap3A_880 = tpu.vector_load %arg9[%swap3A_878, %swap3A_879] {strides = array<i32>} : memref<128x128xf32, #tpu.memory_space<vmem>>, vector<1x16xf32>,
      %swap3A_881 = vector.shape_cast %swap3A_880 : vector<1x16xf32> to vector<16xf32>
      %swap3A_882 = vector.shape_cast %mul3A_877 : vector<16xf32> to vector<1x16xf32>
      tpu.vector_store %arg9[%swap3A_878, %swap3A_879], %swap3A_882 {strides = array<i32>} : memref<128x128xf32, #tpu.memory_space<vmem>>, vector<1x16xf32>,
      %mul3A_883 = arith.mulf %sub3A_830, %get3A_21 : vector<16xf32>
      %sub3A_884 = arith.subf %scan3A_857#3, %mul3A_883 : vector<16xf32>
      %mul3A_885 = arith.mulf %sub3A_884, %div3A_836 : vector<16xf32>
      %swap3A_886 = arith.index_cast %mul3A_657 : i32 to index
      %swap3A_887 = arith.constant 48 : index
      %swap3A_888 = tpu.vector_load %arg9[%swap3A_886, %swap3A_887] {strides = array<i32>} : memref<128x128xf32, #tpu.memory_space<vmem>>, vector<1x16xf32>,
      %swap3A_889 = vector.shape_cast %swap3A_888 : vector<1x16xf32> to vector<16xf32>
      %swap3A_890 = vector.shape_cast %mul3A_885 : vector<16xf32> to vector<1x16xf32>
      tpu.vector_store %arg9[%swap3A_886, %swap3A_887], %swap3A_890 {strides = array<i32>} : memref<128x128xf32, #tpu.memory_space<vmem>>, vector<1x16xf32>,
      %mul3A_891 = arith.mulf %sub3A_830, %get3A_26 : vector<16xf32>
      %sub3A_892 = arith.subf %scan3A_857#4, %mul3A_891 : vector<16xf32>
      %mul3A_893 = arith.mulf %sub3A_892, %div3A_836 : vector<16xf32>
      %swap3A_894 = arith.index_cast %mul3A_657 : i32 to index
      %swap3A_895 = arith.constant 64 : index
      %swap3A_896 = tpu.vector_load %arg9[%swap3A_894, %swap3A_895] {strides = array<i32>} : memref<128x128xf32, #tpu.memory_space<vmem>>, vector<1x16xf32>,
      %swap3A_897 = vector.shape_cast %swap3A_896 : vector<1x16xf32> to vector<16xf32>
      %swap3A_898 = vector.shape_cast %mul3A_893 : vector<16xf32> to vector<1x16xf32>
      tpu.vector_store %arg9[%swap3A_894, %swap3A_895], %swap3A_898 {strides = array<i32>} : memref<128x128xf32, #tpu.memory_space<vmem>>, vector<1x16xf32>,
      %mul3A_899 = arith.mulf %sub3A_830, %get3A_31 : vector<16xf32>
      %sub3A_900 = arith.subf %scan3A_857#5, %mul3A_899 : vector<16xf32>
      %mul3A_901 = arith.mulf %sub3A_900, %div3A_836 : vector<16xf32>
      %swap3A_902 = arith.index_cast %mul3A_657 : i32 to index
      %swap3A_903 = arith.constant 80 : index
      %swap3A_904 = tpu.vector_load %arg9[%swap3A_902, %swap3A_903] {strides = array<i32>} : memref<128x128xf32, #tpu.memory_space<vmem>>, vector<1x16xf32>,
      %swap3A_905 = vector.shape_cast %swap3A_904 : vector<1x16xf32> to vector<16xf32>
      %swap3A_906 = vector.shape_cast %mul3A_901 : vector<16xf32> to vector<1x16xf32>
      tpu.vector_store %arg9[%swap3A_902, %swap3A_903], %swap3A_906 {strides = array<i32>} : memref<128x128xf32, #tpu.memory_space<vmem>>, vector<1x16xf32>,
      %mul3A_907 = arith.mulf %sub3A_830, %get3A_36 : vector<16xf32>
      %sub3A_908 = arith.subf %scan3A_857#6, %mul3A_907 : vector<16xf32>
      %mul3A_909 = arith.mulf %sub3A_908, %div3A_836 : vector<16xf32>
      %swap3A_910 = arith.index_cast %mul3A_657 : i32 to index
      %swap3A_911 = arith.constant 96 : index
      %swap3A_912 = tpu.vector_load %arg9[%swap3A_910, %swap3A_911] {strides = array<i32>} : memref<128x128xf32, #tpu.memory_space<vmem>>, vector<1x16xf32>,
      %swap3A_913 = vector.shape_cast %swap3A_912 : vector<1x16xf32> to vector<16xf32>
      %swap3A_914 = vector.shape_cast %mul3A_909 : vector<16xf32> to vector<1x16xf32>
      tpu.vector_store %arg9[%swap3A_910, %swap3A_911], %swap3A_914 {strides = array<i32>} : memref<128x128xf32, #tpu.memory_space<vmem>>, vector<1x16xf32>,
      %mul3A_915 = arith.mulf %sub3A_830, %get3A_41 : vector<16xf32>
      %sub3A_916 = arith.subf %scan3A_857#7, %mul3A_915 : vector<16xf32>
      %mul3A_917 = arith.mulf %sub3A_916, %div3A_836 : vector<16xf32>
      %swap3A_918 = arith.index_cast %mul3A_657 : i32 to index
      %swap3A_919 = arith.constant 112 : index
      %swap3A_920 = tpu.vector_load %arg9[%swap3A_918, %swap3A_919] {strides = array<i32>} : memref<128x128xf32, #tpu.memory_space<vmem>>, vector<1x16xf32>,
      %swap3A_921 = vector.shape_cast %swap3A_920 : vector<1x16xf32> to vector<16xf32>
      %swap3A_922 = vector.shape_cast %mul3A_917 : vector<16xf32> to vector<1x16xf32>
      tpu.vector_store %arg9[%swap3A_918, %swap3A_919], %swap3A_922 {strides = array<i32>} : memref<128x128xf32, #tpu.memory_space<vmem>>, vector<1x16xf32>,
      %add3A_923 = arith.constant 2 : i32
      %add3A_924 = arith.addi %mul3A_657, %add3A_923 : i32
      %dma_start3A_925 = arith.constant 0 : i32
      %dma_start3A_926 = arith.constant 0 : i32
      %dma_start3A_927 = tpu.memref_slice %arg6[%dma_start3A_925, %dma_start3A_926] : memref<200x128xf32, #tpu.memory_space<vmem>> -> memref<128x128xf32, #tpu.memory_space<vmem>>
      %dma_start3A_928 = arith.constant 0 : i32
      %dma_start3A_929 = tpu.memref_slice %arg5[%add3A_924, %dma_start3A_928] : memref<128x200xi32, #tpu.memory_space<vmem>> -> memref<1x128xi32, #tpu.memory_space<vmem>>
      %dma_start3A_930 = tpu.memref_squeeze %dma_start3A_929 : memref<1x128xi32, #tpu.memory_space<vmem>> -> memref<128xi32, #tpu.memory_space<vmem>>
      %dma_start3A_931 = arith.constant 0 : i32
      %dma_start3A_932 = arith.constant 0 : i32
      %dma_start3A_933 = tpu.memref_slice %arg3[%dma_start3A_931, %dma_start3A_932] : memref<100000x128xf32, #tpu.memory_space<hbm>> -> memref<100000x128xf32, #tpu.memory_space<hbm>>
      tpu.enqueue_indirect_dma source(%dma_start3A_933 : memref<100000x128xf32, #tpu.memory_space<hbm>>) target(%dma_start3A_927 : memref<128x128xf32, #tpu.memory_space<vmem>>) offsets(%dma_start3A_930 : memref<128xi32, #tpu.memory_space<vmem>>) semaphore(%arg10 : memref<!tpu.dma_semaphore, #tpu.memory_space<semaphore_mem>>)
      %dma_start3A_934 = arith.constant 128 : i32
      %dma_start3A_935 = arith.constant 0 : i32
      %dma_start3A_936 = tpu.memref_slice %arg6[%dma_start3A_934, %dma_start3A_935] : memref<200x128xf32, #tpu.memory_space<vmem>> -> memref<72x128xf32, #tpu.memory_space<vmem>>
      %dma_start3A_937 = arith.constant 128 : i32
      %dma_start3A_938 = tpu.memref_slice %arg5[%add3A_924, %dma_start3A_937] : memref<128x200xi32, #tpu.memory_space<vmem>> -> memref<1x72xi32, #tpu.memory_space<vmem>>
      %dma_start3A_939 = tpu.memref_squeeze %dma_start3A_938 : memref<1x72xi32, #tpu.memory_space<vmem>> -> memref<72xi32, #tpu.memory_space<vmem>>
      %dma_start3A_940 = arith.constant 0 : i32
      %dma_start3A_941 = arith.constant 0 : i32
      %dma_start3A_942 = tpu.memref_slice %arg3[%dma_start3A_940, %dma_start3A_941] : memref<100000x128xf32, #tpu.memory_space<hbm>> -> memref<100000x128xf32, #tpu.memory_space<hbm>>
      tpu.enqueue_indirect_dma source(%dma_start3A_942 : memref<100000x128xf32, #tpu.memory_space<hbm>>) target(%dma_start3A_936 : memref<72x128xf32, #tpu.memory_space<vmem>>) offsets(%dma_start3A_939 : memref<72xi32, #tpu.memory_space<vmem>>) semaphore(%arg10 : memref<!tpu.dma_semaphore, #tpu.memory_space<semaphore_mem>>)
      %dma_wait3A_943 = arith.constant 0 : i32
      %dma_wait3A_944 = arith.constant 0 : i32
      %dma_wait3A_945 = tpu.memref_slice %arg3[%dma_wait3A_943, %dma_wait3A_944] : memref<100000x128xf32, #tpu.memory_space<hbm>> -> memref<200x128xf32, #tpu.memory_space<hbm>>
      %dma_wait3A_946 = arith.constant 0 : i32
      %dma_wait3A_947 = arith.constant 0 : i32
      %dma_wait3A_948 = tpu.memref_slice %arg3[%dma_wait3A_946, %dma_wait3A_947] : memref<100000x128xf32, #tpu.memory_space<hbm>> -> memref<200x128xf32, #tpu.memory_space<hbm>>
      tpu.wait_dma2 semaphore(%arg11 : memref<!tpu.dma_semaphore, #tpu.memory_space<semaphore_mem>>) src(%dma_wait3A_948 : memref<200x128xf32, #tpu.memory_space<hbm>>) dst(%arg7 : memref<200x128xf32, #tpu.memory_space<vmem>>)
      %add3A_949 = arith.constant 1 : i32
      %add3A_950 = arith.addi %mul3A_657, %add3A_949 : i32
      %broadcast_in_dim3A_951 = arith.constant 0 : i32
      %broadcast_in_dim3A_952 = vector.broadcast %broadcast_in_dim3A_951 : i32 to vector<16xi32>
      %get3A_953 = arith.index_cast %add3A_950 : i32 to index
      %get3A_954 = arith.constant 0 : index
      %get3A_955 = tpu.vector_load %arg5[%get3A_953, %get3A_954] {strides = array<i32>} : memref<128x200xi32, #tpu.memory_space<vmem>>, vector<1x16xi32>,
      %get3A_956 = vector.shape_cast %get3A_955 : vector<1x16xi32> to vector<16xi32>
      %min3A_957 = arith.constant 1 : i32
      %min3A_958 = vector.broadcast %min3A_957 : i32 to vector<16xi32>
      %min3A_959 = arith.minsi %get3A_956, %min3A_958 : vector<16xi32>
      %add3A_960 = arith.addi %broadcast_in_dim3A_952, %min3A_959 : vector<16xi32>
      %get3A_961 = arith.index_cast %add3A_950 : i32 to index
      %get3A_962 = arith.constant 16 : index
      %get3A_963 = tpu.vector_load %arg5[%get3A_961, %get3A_962] {strides = array<i32>} : memref<128x200xi32, #tpu.memory_space<vmem>>, vector<1x16xi32>,
      %get3A_964 = vector.shape_cast %get3A_963 : vector<1x16xi32> to vector<16xi32>
      %min3A_965 = arith.constant 1 : i32
      %min3A_966 = vector.broadcast %min3A_965 : i32 to vector<16xi32>
      %min3A_967 = arith.minsi %get3A_964, %min3A_966 : vector<16xi32>
      %add3A_968 = arith.addi %add3A_960, %min3A_967 : vector<16xi32>
      %get3A_969 = arith.index_cast %add3A_950 : i32 to index
      %get3A_970 = arith.constant 32 : index
      %get3A_971 = tpu.vector_load %arg5[%get3A_969, %get3A_970] {strides = array<i32>} : memref<128x200xi32, #tpu.memory_space<vmem>>, vector<1x16xi32>,
      %get3A_972 = vector.shape_cast %get3A_971 : vector<1x16xi32> to vector<16xi32>
      %min3A_973 = arith.constant 1 : i32
      %min3A_974 = vector.broadcast %min3A_973 : i32 to vector<16xi32>
      %min3A_975 = arith.minsi %get3A_972, %min3A_974 : vector<16xi32>
      %add3A_976 = arith.addi %add3A_968, %min3A_975 : vector<16xi32>
      %get3A_977 = arith.index_cast %add3A_950 : i32 to index
      %get3A_978 = arith.constant 48 : index
      %get3A_979 = tpu.vector_load %arg5[%get3A_977, %get3A_978] {strides = array<i32>} : memref<128x200xi32, #tpu.memory_space<vmem>>, vector<1x16xi32>,
      %get3A_980 = vector.shape_cast %get3A_979 : vector<1x16xi32> to vector<16xi32>
      %min3A_981 = arith.constant 1 : i32
      %min3A_982 = vector.broadcast %min3A_981 : i32 to vector<16xi32>
      %min3A_983 = arith.minsi %get3A_980, %min3A_982 : vector<16xi32>
      %add3A_984 = arith.addi %add3A_976, %min3A_983 : vector<16xi32>
      %get3A_985 = arith.index_cast %add3A_950 : i32 to index
      %get3A_986 = arith.constant 64 : index
      %get3A_987 = tpu.vector_load %arg5[%get3A_985, %get3A_986] {strides = array<i32>} : memref<128x200xi32, #tpu.memory_space<vmem>>, vector<1x16xi32>,
      %get3A_988 = vector.shape_cast %get3A_987 : vector<1x16xi32> to vector<16xi32>
      %min3A_989 = arith.constant 1 : i32
      %min3A_990 = vector.broadcast %min3A_989 : i32 to vector<16xi32>
      %min3A_991 = arith.minsi %get3A_988, %min3A_990 : vector<16xi32>
      %add3A_992 = arith.addi %add3A_984, %min3A_991 : vector<16xi32>
      %get3A_993 = arith.index_cast %add3A_950 : i32 to index
      %get3A_994 = arith.constant 80 : index
      %get3A_995 = tpu.vector_load %arg5[%get3A_993, %get3A_994] {strides = array<i32>} : memref<128x200xi32, #tpu.memory_space<vmem>>, vector<1x16xi32>,
      %get3A_996 = vector.shape_cast %get3A_995 : vector<1x16xi32> to vector<16xi32>
      %min3A_997 = arith.constant 1 : i32
      %min3A_998 = vector.broadcast %min3A_997 : i32 to vector<16xi32>
      %min3A_999 = arith.minsi %get3A_996, %min3A_998 : vector<16xi32>
      %add3A_1000 = arith.addi %add3A_992, %min3A_999 : vector<16xi32>
      %get3A_1001 = arith.index_cast %add3A_950 : i32 to index
      %get3A_1002 = arith.constant 96 : index
      %get3A_1003 = tpu.vector_load %arg5[%get3A_1001, %get3A_1002] {strides = array<i32>} : memref<128x200xi32, #tpu.memory_space<vmem>>, vector<1x16xi32>,
      %get3A_1004 = vector.shape_cast %get3A_1003 : vector<1x16xi32> to vector<16xi32>
      %min3A_1005 = arith.constant 1 : i32
      %min3A_1006 = vector.broadcast %min3A_1005 : i32 to vector<16xi32>
      %min3A_1007 = arith.minsi %get3A_1004, %min3A_1006 : vector<16xi32>
      %add3A_1008 = arith.addi %add3A_1000, %min3A_1007 : vector<16xi32>
      %get3A_1009 = arith.index_cast %add3A_950 : i32 to index
      %get3A_1010 = arith.constant 112 : index
      %get3A_1011 = tpu.vector_load %arg5[%get3A_1009, %get3A_1010] {strides = array<i32>} : memref<128x200xi32, #tpu.memory_space<vmem>>, vector<1x16xi32>,
      %get3A_1012 = vector.shape_cast %get3A_1011 : vector<1x16xi32> to vector<16xi32>
      %min3A_1013 = arith.constant 1 : i32
      %min3A_1014 = vector.broadcast %min3A_1013 : i32 to vector<16xi32>
      %min3A_1015 = arith.minsi %get3A_1012, %min3A_1014 : vector<16xi32>
      %add3A_1016 = arith.addi %add3A_1008, %min3A_1015 : vector<16xi32>
      %get3A_1017 = arith.index_cast %add3A_950 : i32 to index
      %get3A_1018 = arith.constant 128 : index
      %get3A_1019 = tpu.vector_load %arg5[%get3A_1017, %get3A_1018] {strides = array<i32>} : memref<128x200xi32, #tpu.memory_space<vmem>>, vector<1x16xi32>,
      %get3A_1020 = vector.shape_cast %get3A_1019 : vector<1x16xi32> to vector<16xi32>
      %min3A_1021 = arith.constant 1 : i32
      %min3A_1022 = vector.broadcast %min3A_1021 : i32 to vector<16xi32>
      %min3A_1023 = arith.minsi %get3A_1020, %min3A_1022 : vector<16xi32>
      %add3A_1024 = arith.addi %add3A_1016, %min3A_1023 : vector<16xi32>
      %get3A_1025 = arith.index_cast %add3A_950 : i32 to index
      %get3A_1026 = arith.constant 144 : index
      %get3A_1027 = tpu.vector_load %arg5[%get3A_1025, %get3A_1026] {strides = array<i32>} : memref<128x200xi32, #tpu.memory_space<vmem>>, vector<1x16xi32>,
      %get3A_1028 = vector.shape_cast %get3A_1027 : vector<1x16xi32> to vector<16xi32>
      %min3A_1029 = arith.constant 1 : i32
      %min3A_1030 = vector.broadcast %min3A_1029 : i32 to vector<16xi32>
      %min3A_1031 = arith.minsi %get3A_1028, %min3A_1030 : vector<16xi32>
      %add3A_1032 = arith.addi %add3A_1024, %min3A_1031 : vector<16xi32>
      %get3A_1033 = arith.index_cast %add3A_950 : i32 to index
      %get3A_1034 = arith.constant 160 : index
      %get3A_1035 = tpu.vector_load %arg5[%get3A_1033, %get3A_1034] {strides = array<i32>} : memref<128x200xi32, #tpu.memory_space<vmem>>, vector<1x16xi32>,
      %get3A_1036 = vector.shape_cast %get3A_1035 : vector<1x16xi32> to vector<16xi32>
      %min3A_1037 = arith.constant 1 : i32
      %min3A_1038 = vector.broadcast %min3A_1037 : i32 to vector<16xi32>
      %min3A_1039 = arith.minsi %get3A_1036, %min3A_1038 : vector<16xi32>
      %add3A_1040 = arith.addi %add3A_1032, %min3A_1039 : vector<16xi32>
      %get3A_1041 = arith.index_cast %add3A_950 : i32 to index
      %get3A_1042 = arith.constant 176 : index
      %get3A_1043 = tpu.vector_load %arg5[%get3A_1041, %get3A_1042] {strides = array<i32>} : memref<128x200xi32, #tpu.memory_space<vmem>>, vector<1x16xi32>,
      %get3A_1044 = vector.shape_cast %get3A_1043 : vector<1x16xi32> to vector<16xi32>
      %min3A_1045 = arith.constant 1 : i32
      %min3A_1046 = vector.broadcast %min3A_1045 : i32 to vector<16xi32>
      %min3A_1047 = arith.minsi %get3A_1044, %min3A_1046 : vector<16xi32>
      %add3A_1048 = arith.addi %add3A_1040, %min3A_1047 : vector<16xi32>
      %get3A_1049 = arith.index_cast %add3A_950 : i32 to index
      %get3A_1050 = arith.constant 184 : index
      %get3A_1051 = tpu.vector_load %arg5[%get3A_1049, %get3A_1050] {strides = array<i32>} : memref<128x200xi32, #tpu.memory_space<vmem>>, vector<1x16xi32>,
      %get3A_1052 = vector.shape_cast %get3A_1051 : vector<1x16xi32> to vector<16xi32>
      %min3A_1053 = arith.constant 1 : i32
      %min3A_1054 = vector.broadcast %min3A_1053 : i32 to vector<16xi32>
      %min3A_1055 = arith.minsi %get3A_1052, %min3A_1054 : vector<16xi32>
      %mul3A_1056 = arith.muli %min3A_1055, %min3A_47 : vector<16xi32>
      %add3A_1057 = arith.addi %add3A_1048, %mul3A_1056 : vector<16xi32>
      %convert_element_type3A_1058 = arith.sitofp %add3A_1057 : vector<16xi32> to vector<16xf32>
      %xor3A_1059 = arith.constant 8 : i32
      %xor3A_1060 = vector.broadcast %xor3A_1059 : i32 to vector<16xi32>
      %xor3A_1061 = arith.xori %iota3A, %xor3A_1060 : vector<16xi32>
      %lt3A_1062 = arith.constant 0 : i32
      %lt3A_1063 = vector.broadcast %lt3A_1062 : i32 to vector<16xi32>
      %lt3A_1064 = arith.cmpi slt, %xor3A_1061, %lt3A_1063 : vector<16xi32>
      %add3A_1065 = arith.constant 16 : i32
      %add3A_1066 = vector.broadcast %add3A_1065 : i32 to vector<16xi32>
      %add3A_1067 = arith.addi %xor3A_1061, %add3A_1066 : vector<16xi32>
      %select_n3A_1068 = arith.select %lt3A_1064, %add3A_1067, %xor3A_1061 : vector<16xi1>, vector<16xi32>
      %broadcast_in_dim3A_1069 = vector.shape_cast %select_n3A_1068 : vector<16xi32> to vector<16x1xi32>
      %gather3A_1070 = vector.shape_cast %broadcast_in_dim3A_1069 : vector<16x1xi32> to vector<16xi32>
      %gather3A_1071 = tpu.dynamic_gather %convert_element_type3A_1058[%gather3A_1070] in [0] : vector<16xf32>, vector<16xi32> -> vector<16xf32>
      %add3A_1072 = arith.addf %convert_element_type3A_1058, %gather3A_1071 : vector<16xf32>
      %xor3A_1073 = arith.constant 4 : i32
      %xor3A_1074 = vector.broadcast %xor3A_1073 : i32 to vector<16xi32>
      %xor3A_1075 = arith.xori %iota3A, %xor3A_1074 : vector<16xi32>
      %lt3A_1076 = arith.constant 0 : i32
      %lt3A_1077 = vector.broadcast %lt3A_1076 : i32 to vector<16xi32>
      %lt3A_1078 = arith.cmpi slt, %xor3A_1075, %lt3A_1077 : vector<16xi32>
      %add3A_1079 = arith.constant 16 : i32
      %add3A_1080 = vector.broadcast %add3A_1079 : i32 to vector<16xi32>
      %add3A_1081 = arith.addi %xor3A_1075, %add3A_1080 : vector<16xi32>
      %select_n3A_1082 = arith.select %lt3A_1078, %add3A_1081, %xor3A_1075 : vector<16xi1>, vector<16xi32>
      %broadcast_in_dim3A_1083 = vector.shape_cast %select_n3A_1082 : vector<16xi32> to vector<16x1xi32>
      %gather3A_1084 = vector.shape_cast %broadcast_in_dim3A_1083 : vector<16x1xi32> to vector<16xi32>
      %gather3A_1085 = tpu.dynamic_gather %add3A_1072[%gather3A_1084] in [0] : vector<16xf32>, vector<16xi32> -> vector<16xf32>
      %add3A_1086 = arith.addf %add3A_1072, %gather3A_1085 : vector<16xf32>
      %xor3A_1087 = arith.constant 2 : i32
      %xor3A_1088 = vector.broadcast %xor3A_1087 : i32 to vector<16xi32>
      %xor3A_1089 = arith.xori %iota3A, %xor3A_1088 : vector<16xi32>
      %lt3A_1090 = arith.constant 0 : i32
      %lt3A_1091 = vector.broadcast %lt3A_1090 : i32 to vector<16xi32>
      %lt3A_1092 = arith.cmpi slt, %xor3A_1089, %lt3A_1091 : vector<16xi32>
      %add3A_1093 = arith.constant 16 : i32
      %add3A_1094 = vector.broadcast %add3A_1093 : i32 to vector<16xi32>
      %add3A_1095 = arith.addi %xor3A_1089, %add3A_1094 : vector<16xi32>
      %select_n3A_1096 = arith.select %lt3A_1092, %add3A_1095, %xor3A_1089 : vector<16xi1>, vector<16xi32>
      %broadcast_in_dim3A_1097 = vector.shape_cast %select_n3A_1096 : vector<16xi32> to vector<16x1xi32>
      %gather3A_1098 = vector.shape_cast %broadcast_in_dim3A_1097 : vector<16x1xi32> to vector<16xi32>
      %gather3A_1099 = tpu.dynamic_gather %add3A_1086[%gather3A_1098] in [0] : vector<16xf32>, vector<16xi32> -> vector<16xf32>
      %add3A_1100 = arith.addf %add3A_1086, %gather3A_1099 : vector<16xf32>
      %xor3A_1101 = arith.constant 1 : i32
      %xor3A_1102 = vector.broadcast %xor3A_1101 : i32 to vector<16xi32>
      %xor3A_1103 = arith.xori %iota3A, %xor3A_1102 : vector<16xi32>
      %lt3A_1104 = arith.constant 0 : i32
      %lt3A_1105 = vector.broadcast %lt3A_1104 : i32 to vector<16xi32>
      %lt3A_1106 = arith.cmpi slt, %xor3A_1103, %lt3A_1105 : vector<16xi32>
      %add3A_1107 = arith.constant 16 : i32
      %add3A_1108 = vector.broadcast %add3A_1107 : i32 to vector<16xi32>
      %add3A_1109 = arith.addi %xor3A_1103, %add3A_1108 : vector<16xi32>
      %select_n3A_1110 = arith.select %lt3A_1106, %add3A_1109, %xor3A_1103 : vector<16xi1>, vector<16xi32>
      %broadcast_in_dim3A_1111 = vector.shape_cast %select_n3A_1110 : vector<16xi32> to vector<16x1xi32>
      %gather3A_1112 = vector.shape_cast %broadcast_in_dim3A_1111 : vector<16x1xi32> to vector<16xi32>
      %gather3A_1113 = tpu.dynamic_gather %add3A_1100[%gather3A_1112] in [0] : vector<16xf32>, vector<16xi32> -> vector<16xf32>
      %add3A_1114 = arith.addf %add3A_1100, %gather3A_1113 : vector<16xf32>
      %sub3A_1115 = arith.constant 2.000000e+02 : f32
      %sub3A_1116 = vector.broadcast %sub3A_1115 : f32 to vector<16xf32>
      %sub3A_1117 = arith.subf %sub3A_1116, %add3A_1114 : vector<16xf32>
      %max3A_1118 = arith.constant 1.000000e+00 : f32
      %max3A_1119 = vector.broadcast %max3A_1118 : f32 to vector<16xf32>
      %max3A_1120 = arith.maximumf %add3A_1114, %max3A_1119 : vector<16xf32>
      %div3A_1121 = arith.constant 1.000000e+00 : f32
      %div3A_1122 = vector.broadcast %div3A_1121 : f32 to vector<16xf32>
      %div3A_1123 = arith.divf %div3A_1122, %max3A_1120 : vector<16xf32>
      %broadcast_in_dim3A_1124 = arith.constant 0.000000e+00 : f32
      %broadcast_in_dim3A_1125 = vector.broadcast %broadcast_in_dim3A_1124 : f32 to vector<16xf32>
      %broadcast_in_dim3A_1126 = arith.constant 0.000000e+00 : f32
      %broadcast_in_dim3A_1127 = vector.broadcast %broadcast_in_dim3A_1126 : f32 to vector<16xf32>
      %broadcast_in_dim3A_1128 = arith.constant 0.000000e+00 : f32
      %broadcast_in_dim3A_1129 = vector.broadcast %broadcast_in_dim3A_1128 : f32 to vector<16xf32>
      %broadcast_in_dim3A_1130 = arith.constant 0.000000e+00 : f32
      %broadcast_in_dim3A_1131 = vector.broadcast %broadcast_in_dim3A_1130 : f32 to vector<16xf32>
      %broadcast_in_dim3A_1132 = arith.constant 0.000000e+00 : f32
      %broadcast_in_dim3A_1133 = vector.broadcast %broadcast_in_dim3A_1132 : f32 to vector<16xf32>
      %broadcast_in_dim3A_1134 = arith.constant 0.000000e+00 : f32
      %broadcast_in_dim3A_1135 = vector.broadcast %broadcast_in_dim3A_1134 : f32 to vector<16xf32>
      %broadcast_in_dim3A_1136 = arith.constant 0.000000e+00 : f32
      %broadcast_in_dim3A_1137 = vector.broadcast %broadcast_in_dim3A_1136 : f32 to vector<16xf32>
      %broadcast_in_dim3A_1138 = arith.constant 0.000000e+00 : f32
      %broadcast_in_dim3A_1139 = vector.broadcast %broadcast_in_dim3A_1138 : f32 to vector<16xf32>
      %scan3A_1140 = arith.constant 0 : i32
      %scan3A_1141 = arith.constant 200 : i32
      %scan3A_1142 = arith.addi %scan3A_1140, %scan3A_1141 : i32
      %scan3A_1143 = arith.constant 1 : i32
      %scan3A_1144:8 = scf.for %scan3A_1230 = %scan3A_1140 to %scan3A_1142 step %scan3A_1143 iter_args(%scan3A_1231 = %broadcast_in_dim3A_1125, %scan3A_1232 = %broadcast_in_dim3A_1127, %scan3A_1233 = %broadcast_in_dim3A_1129, %scan3A_1234 = %broadcast_in_dim3A_1131, %scan3A_1235 = %broadcast_in_dim3A_1133, %scan3A_1236 = %broadcast_in_dim3A_1135, %scan3A_1237 = %broadcast_in_dim3A_1137, %scan3A_1238 = %broadcast_in_dim3A_1139) -> (vector<16xf32>, vector<16xf32>, vector<16xf32>, vector<16xf32>, vector<16xf32>, vector<16xf32>, vector<16xf32>, vector<16xf32>)  : i32 {
        %get3A_1239 = arith.index_cast %scan3A_1230 : i32 to index
        %get3A_1240 = arith.constant 0 : index
        %get3A_1241 = tpu.vector_load %arg7[%get3A_1239, %get3A_1240] {strides = array<i32>} : memref<200x128xf32, #tpu.memory_space<vmem>>, vector<1x16xf32>,
        %get3A_1242 = vector.shape_cast %get3A_1241 : vector<1x16xf32> to vector<16xf32>
        %add3A_1243 = arith.addf %scan3A_1231, %get3A_1242 : vector<16xf32>
        %get3A_1244 = arith.index_cast %scan3A_1230 : i32 to index
        %get3A_1245 = arith.constant 16 : index
        %get3A_1246 = tpu.vector_load %arg7[%get3A_1244, %get3A_1245] {strides = array<i32>} : memref<200x128xf32, #tpu.memory_space<vmem>>, vector<1x16xf32>,
        %get3A_1247 = vector.shape_cast %get3A_1246 : vector<1x16xf32> to vector<16xf32>
        %add3A_1248 = arith.addf %scan3A_1232, %get3A_1247 : vector<16xf32>
        %get3A_1249 = arith.index_cast %scan3A_1230 : i32 to index
        %get3A_1250 = arith.constant 32 : index
        %get3A_1251 = tpu.vector_load %arg7[%get3A_1249, %get3A_1250] {strides = array<i32>} : memref<200x128xf32, #tpu.memory_space<vmem>>, vector<1x16xf32>,
        %get3A_1252 = vector.shape_cast %get3A_1251 : vector<1x16xf32> to vector<16xf32>
        %add3A_1253 = arith.addf %scan3A_1233, %get3A_1252 : vector<16xf32>
        %get3A_1254 = arith.index_cast %scan3A_1230 : i32 to index
        %get3A_1255 = arith.constant 48 : index
        %get3A_1256 = tpu.vector_load %arg7[%get3A_1254, %get3A_1255] {strides = array<i32>} : memref<200x128xf32, #tpu.memory_space<vmem>>, vector<1x16xf32>,
        %get3A_1257 = vector.shape_cast %get3A_1256 : vector<1x16xf32> to vector<16xf32>
        %add3A_1258 = arith.addf %scan3A_1234, %get3A_1257 : vector<16xf32>
        %get3A_1259 = arith.index_cast %scan3A_1230 : i32 to index
        %get3A_1260 = arith.constant 64 : index
        %get3A_1261 = tpu.vector_load %arg7[%get3A_1259, %get3A_1260] {strides = array<i32>} : memref<200x128xf32, #tpu.memory_space<vmem>>, vector<1x16xf32>,
        %get3A_1262 = vector.shape_cast %get3A_1261 : vector<1x16xf32> to vector<16xf32>
        %add3A_1263 = arith.addf %scan3A_1235, %get3A_1262 : vector<16xf32>
        %get3A_1264 = arith.index_cast %scan3A_1230 : i32 to index
        %get3A_1265 = arith.constant 80 : index
        %get3A_1266 = tpu.vector_load %arg7[%get3A_1264, %get3A_1265] {strides = array<i32>} : memref<200x128xf32, #tpu.memory_space<vmem>>, vector<1x16xf32>,
        %get3A_1267 = vector.shape_cast %get3A_1266 : vector<1x16xf32> to vector<16xf32>
        %add3A_1268 = arith.addf %scan3A_1236, %get3A_1267 : vector<16xf32>
        %get3A_1269 = arith.index_cast %scan3A_1230 : i32 to index
        %get3A_1270 = arith.constant 96 : index
        %get3A_1271 = tpu.vector_load %arg7[%get3A_1269, %get3A_1270] {strides = array<i32>} : memref<200x128xf32, #tpu.memory_space<vmem>>, vector<1x16xf32>,
        %get3A_1272 = vector.shape_cast %get3A_1271 : vector<1x16xf32> to vector<16xf32>
        %add3A_1273 = arith.addf %scan3A_1237, %get3A_1272 : vector<16xf32>
        %get3A_1274 = arith.index_cast %scan3A_1230 : i32 to index
        %get3A_1275 = arith.constant 112 : index
        %get3A_1276 = tpu.vector_load %arg7[%get3A_1274, %get3A_1275] {strides = array<i32>} : memref<200x128xf32, #tpu.memory_space<vmem>>, vector<1x16xf32>,
        %get3A_1277 = vector.shape_cast %get3A_1276 : vector<1x16xf32> to vector<16xf32>
        %add3A_1278 = arith.addf %scan3A_1238, %get3A_1277 : vector<16xf32>
        scf.yield %add3A_1243, %add3A_1248, %add3A_1253, %add3A_1258, %add3A_1263, %add3A_1268, %add3A_1273, %add3A_1278 : vector<16xf32>, vector<16xf32>, vector<16xf32>, vector<16xf32>, vector<16xf32>, vector<16xf32>, vector<16xf32>, vector<16xf32>
      }
      %scan3A_1145 = arith.constant 200 : i32
      %mul3A_1146 = arith.mulf %sub3A_1117, %get3A_6 : vector<16xf32>
      %sub3A_1147 = arith.subf %scan3A_1144#0, %mul3A_1146 : vector<16xf32>
      %mul3A_1148 = arith.mulf %sub3A_1147, %div3A_1123 : vector<16xf32>
      %swap3A_1149 = arith.index_cast %add3A_950 : i32 to index
      %swap3A_1150 = arith.constant 0 : index
      %swap3A_1151 = tpu.vector_load %arg9[%swap3A_1149, %swap3A_1150] {strides = array<i32>} : memref<128x128xf32, #tpu.memory_space<vmem>>, vector<1x16xf32>,
      %swap3A_1152 = vector.shape_cast %swap3A_1151 : vector<1x16xf32> to vector<16xf32>
      %swap3A_1153 = vector.shape_cast %mul3A_1148 : vector<16xf32> to vector<1x16xf32>
      tpu.vector_store %arg9[%swap3A_1149, %swap3A_1150], %swap3A_1153 {strides = array<i32>} : memref<128x128xf32, #tpu.memory_space<vmem>>, vector<1x16xf32>,
      %mul3A_1154 = arith.mulf %sub3A_1117, %get3A_11 : vector<16xf32>
      %sub3A_1155 = arith.subf %scan3A_1144#1, %mul3A_1154 : vector<16xf32>
      %mul3A_1156 = arith.mulf %sub3A_1155, %div3A_1123 : vector<16xf32>
      %swap3A_1157 = arith.index_cast %add3A_950 : i32 to index
      %swap3A_1158 = arith.constant 16 : index
      %swap3A_1159 = tpu.vector_load %arg9[%swap3A_1157, %swap3A_1158] {strides = array<i32>} : memref<128x128xf32, #tpu.memory_space<vmem>>, vector<1x16xf32>,
      %swap3A_1160 = vector.shape_cast %swap3A_1159 : vector<1x16xf32> to vector<16xf32>
      %swap3A_1161 = vector.shape_cast %mul3A_1156 : vector<16xf32> to vector<1x16xf32>
      tpu.vector_store %arg9[%swap3A_1157, %swap3A_1158], %swap3A_1161 {strides = array<i32>} : memref<128x128xf32, #tpu.memory_space<vmem>>, vector<1x16xf32>,
      %mul3A_1162 = arith.mulf %sub3A_1117, %get3A_16 : vector<16xf32>
      %sub3A_1163 = arith.subf %scan3A_1144#2, %mul3A_1162 : vector<16xf32>
      %mul3A_1164 = arith.mulf %sub3A_1163, %div3A_1123 : vector<16xf32>
      %swap3A_1165 = arith.index_cast %add3A_950 : i32 to index
      %swap3A_1166 = arith.constant 32 : index
      %swap3A_1167 = tpu.vector_load %arg9[%swap3A_1165, %swap3A_1166] {strides = array<i32>} : memref<128x128xf32, #tpu.memory_space<vmem>>, vector<1x16xf32>,
      %swap3A_1168 = vector.shape_cast %swap3A_1167 : vector<1x16xf32> to vector<16xf32>
      %swap3A_1169 = vector.shape_cast %mul3A_1164 : vector<16xf32> to vector<1x16xf32>
      tpu.vector_store %arg9[%swap3A_1165, %swap3A_1166], %swap3A_1169 {strides = array<i32>} : memref<128x128xf32, #tpu.memory_space<vmem>>, vector<1x16xf32>,
      %mul3A_1170 = arith.mulf %sub3A_1117, %get3A_21 : vector<16xf32>
      %sub3A_1171 = arith.subf %scan3A_1144#3, %mul3A_1170 : vector<16xf32>
      %mul3A_1172 = arith.mulf %sub3A_1171, %div3A_1123 : vector<16xf32>
      %swap3A_1173 = arith.index_cast %add3A_950 : i32 to index
      %swap3A_1174 = arith.constant 48 : index
      %swap3A_1175 = tpu.vector_load %arg9[%swap3A_1173, %swap3A_1174] {strides = array<i32>} : memref<128x128xf32, #tpu.memory_space<vmem>>, vector<1x16xf32>,
      %swap3A_1176 = vector.shape_cast %swap3A_1175 : vector<1x16xf32> to vector<16xf32>
      %swap3A_1177 = vector.shape_cast %mul3A_1172 : vector<16xf32> to vector<1x16xf32>
      tpu.vector_store %arg9[%swap3A_1173, %swap3A_1174], %swap3A_1177 {strides = array<i32>} : memref<128x128xf32, #tpu.memory_space<vmem>>, vector<1x16xf32>,
      %mul3A_1178 = arith.mulf %sub3A_1117, %get3A_26 : vector<16xf32>
      %sub3A_1179 = arith.subf %scan3A_1144#4, %mul3A_1178 : vector<16xf32>
      %mul3A_1180 = arith.mulf %sub3A_1179, %div3A_1123 : vector<16xf32>
      %swap3A_1181 = arith.index_cast %add3A_950 : i32 to index
      %swap3A_1182 = arith.constant 64 : index
      %swap3A_1183 = tpu.vector_load %arg9[%swap3A_1181, %swap3A_1182] {strides = array<i32>} : memref<128x128xf32, #tpu.memory_space<vmem>>, vector<1x16xf32>,
      %swap3A_1184 = vector.shape_cast %swap3A_1183 : vector<1x16xf32> to vector<16xf32>
      %swap3A_1185 = vector.shape_cast %mul3A_1180 : vector<16xf32> to vector<1x16xf32>
      tpu.vector_store %arg9[%swap3A_1181, %swap3A_1182], %swap3A_1185 {strides = array<i32>} : memref<128x128xf32, #tpu.memory_space<vmem>>, vector<1x16xf32>,
      %mul3A_1186 = arith.mulf %sub3A_1117, %get3A_31 : vector<16xf32>
      %sub3A_1187 = arith.subf %scan3A_1144#5, %mul3A_1186 : vector<16xf32>
      %mul3A_1188 = arith.mulf %sub3A_1187, %div3A_1123 : vector<16xf32>
      %swap3A_1189 = arith.index_cast %add3A_950 : i32 to index
      %swap3A_1190 = arith.constant 80 : index
      %swap3A_1191 = tpu.vector_load %arg9[%swap3A_1189, %swap3A_1190] {strides = array<i32>} : memref<128x128xf32, #tpu.memory_space<vmem>>, vector<1x16xf32>,
      %swap3A_1192 = vector.shape_cast %swap3A_1191 : vector<1x16xf32> to vector<16xf32>
      %swap3A_1193 = vector.shape_cast %mul3A_1188 : vector<16xf32> to vector<1x16xf32>
      tpu.vector_store %arg9[%swap3A_1189, %swap3A_1190], %swap3A_1193 {strides = array<i32>} : memref<128x128xf32, #tpu.memory_space<vmem>>, vector<1x16xf32>,
      %mul3A_1194 = arith.mulf %sub3A_1117, %get3A_36 : vector<16xf32>
      %sub3A_1195 = arith.subf %scan3A_1144#6, %mul3A_1194 : vector<16xf32>
      %mul3A_1196 = arith.mulf %sub3A_1195, %div3A_1123 : vector<16xf32>
      %swap3A_1197 = arith.index_cast %add3A_950 : i32 to index
      %swap3A_1198 = arith.constant 96 : index
      %swap3A_1199 = tpu.vector_load %arg9[%swap3A_1197, %swap3A_1198] {strides = array<i32>} : memref<128x128xf32, #tpu.memory_space<vmem>>, vector<1x16xf32>,
      %swap3A_1200 = vector.shape_cast %swap3A_1199 : vector<1x16xf32> to vector<16xf32>
      %swap3A_1201 = vector.shape_cast %mul3A_1196 : vector<16xf32> to vector<1x16xf32>
      tpu.vector_store %arg9[%swap3A_1197, %swap3A_1198], %swap3A_1201 {strides = array<i32>} : memref<128x128xf32, #tpu.memory_space<vmem>>, vector<1x16xf32>,
      %mul3A_1202 = arith.mulf %sub3A_1117, %get3A_41 : vector<16xf32>
      %sub3A_1203 = arith.subf %scan3A_1144#7, %mul3A_1202 : vector<16xf32>
      %mul3A_1204 = arith.mulf %sub3A_1203, %div3A_1123 : vector<16xf32>
      %swap3A_1205 = arith.index_cast %add3A_950 : i32 to index
      %swap3A_1206 = arith.constant 112 : index
      %swap3A_1207 = tpu.vector_load %arg9[%swap3A_1205, %swap3A_1206] {strides = array<i32>} : memref<128x128xf32, #tpu.memory_space<vmem>>, vector<1x16xf32>,
      %swap3A_1208 = vector.shape_cast %swap3A_1207 : vector<1x16xf32> to vector<16xf32>
      %swap3A_1209 = vector.shape_cast %mul3A_1204 : vector<16xf32> to vector<1x16xf32>
      tpu.vector_store %arg9[%swap3A_1205, %swap3A_1206], %swap3A_1209 {strides = array<i32>} : memref<128x128xf32, #tpu.memory_space<vmem>>, vector<1x16xf32>,
      %add3A_1210 = arith.constant 3 : i32
      %add3A_1211 = arith.addi %mul3A_657, %add3A_1210 : i32
      %dma_start3A_1212 = arith.constant 0 : i32
      %dma_start3A_1213 = arith.constant 0 : i32
      %dma_start3A_1214 = tpu.memref_slice %arg7[%dma_start3A_1212, %dma_start3A_1213] : memref<200x128xf32, #tpu.memory_space<vmem>> -> memref<128x128xf32, #tpu.memory_space<vmem>>
      %dma_start3A_1215 = arith.constant 0 : i32
      %dma_start3A_1216 = tpu.memref_slice %arg5[%add3A_1211, %dma_start3A_1215] : memref<128x200xi32, #tpu.memory_space<vmem>> -> memref<1x128xi32, #tpu.memory_space<vmem>>
      %dma_start3A_1217 = tpu.memref_squeeze %dma_start3A_1216 : memref<1x128xi32, #tpu.memory_space<vmem>> -> memref<128xi32, #tpu.memory_space<vmem>>
      %dma_start3A_1218 = arith.constant 0 : i32
      %dma_start3A_1219 = arith.constant 0 : i32
      %dma_start3A_1220 = tpu.memref_slice %arg3[%dma_start3A_1218, %dma_start3A_1219] : memref<100000x128xf32, #tpu.memory_space<hbm>> -> memref<100000x128xf32, #tpu.memory_space<hbm>>
      tpu.enqueue_indirect_dma source(%dma_start3A_1220 : memref<100000x128xf32, #tpu.memory_space<hbm>>) target(%dma_start3A_1214 : memref<128x128xf32, #tpu.memory_space<vmem>>) offsets(%dma_start3A_1217 : memref<128xi32, #tpu.memory_space<vmem>>) semaphore(%arg11 : memref<!tpu.dma_semaphore, #tpu.memory_space<semaphore_mem>>)
      %dma_start3A_1221 = arith.constant 128 : i32
      %dma_start3A_1222 = arith.constant 0 : i32
      %dma_start3A_1223 = tpu.memref_slice %arg7[%dma_start3A_1221, %dma_start3A_1222] : memref<200x128xf32, #tpu.memory_space<vmem>> -> memref<72x128xf32, #tpu.memory_space<vmem>>
      %dma_start3A_1224 = arith.constant 128 : i32
      %dma_start3A_1225 = tpu.memref_slice %arg5[%add3A_1211, %dma_start3A_1224] : memref<128x200xi32, #tpu.memory_space<vmem>> -> memref<1x72xi32, #tpu.memory_space<vmem>>
      %dma_start3A_1226 = tpu.memref_squeeze %dma_start3A_1225 : memref<1x72xi32, #tpu.memory_space<vmem>> -> memref<72xi32, #tpu.memory_space<vmem>>
      %dma_start3A_1227 = arith.constant 0 : i32
      %dma_start3A_1228 = arith.constant 0 : i32
      %dma_start3A_1229 = tpu.memref_slice %arg3[%dma_start3A_1227, %dma_start3A_1228] : memref<100000x128xf32, #tpu.memory_space<hbm>> -> memref<100000x128xf32, #tpu.memory_space<hbm>>
      tpu.enqueue_indirect_dma source(%dma_start3A_1229 : memref<100000x128xf32, #tpu.memory_space<hbm>>) target(%dma_start3A_1223 : memref<72x128xf32, #tpu.memory_space<vmem>>) offsets(%dma_start3A_1226 : memref<72xi32, #tpu.memory_space<vmem>>) semaphore(%arg11 : memref<!tpu.dma_semaphore, #tpu.memory_space<semaphore_mem>>)
    }
    %scan3A_91 = arith.constant 63 : i32
    %dma_wait3A = arith.constant 0 : i32
    %dma_wait3A_92 = arith.constant 0 : i32
    %dma_wait3A_93 = tpu.memref_slice %arg3[%dma_wait3A, %dma_wait3A_92] : memref<100000x128xf32, #tpu.memory_space<hbm>> -> memref<200x128xf32, #tpu.memory_space<hbm>>
    %dma_wait3A_94 = arith.constant 0 : i32
    %dma_wait3A_95 = arith.constant 0 : i32
    %dma_wait3A_96 = tpu.memref_slice %arg3[%dma_wait3A_94, %dma_wait3A_95] : memref<100000x128xf32, #tpu.memory_space<hbm>> -> memref<200x128xf32, #tpu.memory_space<hbm>>
    tpu.wait_dma2 semaphore(%arg10 : memref<!tpu.dma_semaphore, #tpu.memory_space<semaphore_mem>>) src(%dma_wait3A_96 : memref<200x128xf32, #tpu.memory_space<hbm>>) dst(%arg6 : memref<200x128xf32, #tpu.memory_space<vmem>>)
    %broadcast_in_dim3A = arith.constant 0 : i32
    %broadcast_in_dim3A_97 = vector.broadcast %broadcast_in_dim3A : i32 to vector<16xi32>
    %get3A_98 = arith.constant 126 : i32
    %get3A_99 = arith.index_cast %get3A_98 : i32 to index
    %get3A_100 = arith.constant 0 : index
    %get3A_101 = tpu.vector_load %arg5[%get3A_99, %get3A_100] {strides = array<i32>} : memref<128x200xi32, #tpu.memory_space<vmem>>, vector<1x16xi32>,
    %get3A_102 = vector.shape_cast %get3A_101 : vector<1x16xi32> to vector<16xi32>
    %min3A_103 = arith.constant 1 : i32
    %min3A_104 = vector.broadcast %min3A_103 : i32 to vector<16xi32>
    %min3A_105 = arith.minsi %get3A_102, %min3A_104 : vector<16xi32>
    %add3A_106 = arith.addi %broadcast_in_dim3A_97, %min3A_105 : vector<16xi32>
    %get3A_107 = arith.constant 126 : i32
    %get3A_108 = arith.index_cast %get3A_107 : i32 to index
    %get3A_109 = arith.constant 16 : index
    %get3A_110 = tpu.vector_load %arg5[%get3A_108, %get3A_109] {strides = array<i32>} : memref<128x200xi32, #tpu.memory_space<vmem>>, vector<1x16xi32>,
    %get3A_111 = vector.shape_cast %get3A_110 : vector<1x16xi32> to vector<16xi32>
    %min3A_112 = arith.constant 1 : i32
    %min3A_113 = vector.broadcast %min3A_112 : i32 to vector<16xi32>
    %min3A_114 = arith.minsi %get3A_111, %min3A_113 : vector<16xi32>
    %add3A_115 = arith.addi %add3A_106, %min3A_114 : vector<16xi32>
    %get3A_116 = arith.constant 126 : i32
    %get3A_117 = arith.index_cast %get3A_116 : i32 to index
    %get3A_118 = arith.constant 32 : index
    %get3A_119 = tpu.vector_load %arg5[%get3A_117, %get3A_118] {strides = array<i32>} : memref<128x200xi32, #tpu.memory_space<vmem>>, vector<1x16xi32>,
    %get3A_120 = vector.shape_cast %get3A_119 : vector<1x16xi32> to vector<16xi32>
    %min3A_121 = arith.constant 1 : i32
    %min3A_122 = vector.broadcast %min3A_121 : i32 to vector<16xi32>
    %min3A_123 = arith.minsi %get3A_120, %min3A_122 : vector<16xi32>
    %add3A_124 = arith.addi %add3A_115, %min3A_123 : vector<16xi32>
    %get3A_125 = arith.constant 126 : i32
    %get3A_126 = arith.index_cast %get3A_125 : i32 to index
    %get3A_127 = arith.constant 48 : index
    %get3A_128 = tpu.vector_load %arg5[%get3A_126, %get3A_127] {strides = array<i32>} : memref<128x200xi32, #tpu.memory_space<vmem>>, vector<1x16xi32>,
    %get3A_129 = vector.shape_cast %get3A_128 : vector<1x16xi32> to vector<16xi32>
    %min3A_130 = arith.constant 1 : i32
    %min3A_131 = vector.broadcast %min3A_130 : i32 to vector<16xi32>
    %min3A_132 = arith.minsi %get3A_129, %min3A_131 : vector<16xi32>
    %add3A_133 = arith.addi %add3A_124, %min3A_132 : vector<16xi32>
    %get3A_134 = arith.constant 126 : i32
    %get3A_135 = arith.index_cast %get3A_134 : i32 to index
    %get3A_136 = arith.constant 64 : index
    %get3A_137 = tpu.vector_load %arg5[%get3A_135, %get3A_136] {strides = array<i32>} : memref<128x200xi32, #tpu.memory_space<vmem>>, vector<1x16xi32>,
    %get3A_138 = vector.shape_cast %get3A_137 : vector<1x16xi32> to vector<16xi32>
    %min3A_139 = arith.constant 1 : i32
    %min3A_140 = vector.broadcast %min3A_139 : i32 to vector<16xi32>
    %min3A_141 = arith.minsi %get3A_138, %min3A_140 : vector<16xi32>
    %add3A_142 = arith.addi %add3A_133, %min3A_141 : vector<16xi32>
    %get3A_143 = arith.constant 126 : i32
    %get3A_144 = arith.index_cast %get3A_143 : i32 to index
    %get3A_145 = arith.constant 80 : index
    %get3A_146 = tpu.vector_load %arg5[%get3A_144, %get3A_145] {strides = array<i32>} : memref<128x200xi32, #tpu.memory_space<vmem>>, vector<1x16xi32>,
    %get3A_147 = vector.shape_cast %get3A_146 : vector<1x16xi32> to vector<16xi32>
    %min3A_148 = arith.constant 1 : i32
    %min3A_149 = vector.broadcast %min3A_148 : i32 to vector<16xi32>
    %min3A_150 = arith.minsi %get3A_147, %min3A_149 : vector<16xi32>
    %add3A_151 = arith.addi %add3A_142, %min3A_150 : vector<16xi32>
    %get3A_152 = arith.constant 126 : i32
    %get3A_153 = arith.index_cast %get3A_152 : i32 to index
    %get3A_154 = arith.constant 96 : index
    %get3A_155 = tpu.vector_load %arg5[%get3A_153, %get3A_154] {strides = array<i32>} : memref<128x200xi32, #tpu.memory_space<vmem>>, vector<1x16xi32>,
    %get3A_156 = vector.shape_cast %get3A_155 : vector<1x16xi32> to vector<16xi32>
    %min3A_157 = arith.constant 1 : i32
    %min3A_158 = vector.broadcast %min3A_157 : i32 to vector<16xi32>
    %min3A_159 = arith.minsi %get3A_156, %min3A_158 : vector<16xi32>
    %add3A_160 = arith.addi %add3A_151, %min3A_159 : vector<16xi32>
    %get3A_161 = arith.constant 126 : i32
    %get3A_162 = arith.index_cast %get3A_161 : i32 to index
    %get3A_163 = arith.constant 112 : index
    %get3A_164 = tpu.vector_load %arg5[%get3A_162, %get3A_163] {strides = array<i32>} : memref<128x200xi32, #tpu.memory_space<vmem>>, vector<1x16xi32>,
    %get3A_165 = vector.shape_cast %get3A_164 : vector<1x16xi32> to vector<16xi32>
    %min3A_166 = arith.constant 1 : i32
    %min3A_167 = vector.broadcast %min3A_166 : i32 to vector<16xi32>
    %min3A_168 = arith.minsi %get3A_165, %min3A_167 : vector<16xi32>
    %add3A_169 = arith.addi %add3A_160, %min3A_168 : vector<16xi32>
    %get3A_170 = arith.constant 126 : i32
    %get3A_171 = arith.index_cast %get3A_170 : i32 to index
    %get3A_172 = arith.constant 128 : index
    %get3A_173 = tpu.vector_load %arg5[%get3A_171, %get3A_172] {strides = array<i32>} : memref<128x200xi32, #tpu.memory_space<vmem>>, vector<1x16xi32>,
    %get3A_174 = vector.shape_cast %get3A_173 : vector<1x16xi32> to vector<16xi32>
    %min3A_175 = arith.constant 1 : i32
    %min3A_176 = vector.broadcast %min3A_175 : i32 to vector<16xi32>
    %min3A_177 = arith.minsi %get3A_174, %min3A_176 : vector<16xi32>
    %add3A_178 = arith.addi %add3A_169, %min3A_177 : vector<16xi32>
    %get3A_179 = arith.constant 126 : i32
    %get3A_180 = arith.index_cast %get3A_179 : i32 to index
    %get3A_181 = arith.constant 144 : index
    %get3A_182 = tpu.vector_load %arg5[%get3A_180, %get3A_181] {strides = array<i32>} : memref<128x200xi32, #tpu.memory_space<vmem>>, vector<1x16xi32>,
    %get3A_183 = vector.shape_cast %get3A_182 : vector<1x16xi32> to vector<16xi32>
    %min3A_184 = arith.constant 1 : i32
    %min3A_185 = vector.broadcast %min3A_184 : i32 to vector<16xi32>
    %min3A_186 = arith.minsi %get3A_183, %min3A_185 : vector<16xi32>
    %add3A_187 = arith.addi %add3A_178, %min3A_186 : vector<16xi32>
    %get3A_188 = arith.constant 126 : i32
    %get3A_189 = arith.index_cast %get3A_188 : i32 to index
    %get3A_190 = arith.constant 160 : index
    %get3A_191 = tpu.vector_load %arg5[%get3A_189, %get3A_190] {strides = array<i32>} : memref<128x200xi32, #tpu.memory_space<vmem>>, vector<1x16xi32>,
    %get3A_192 = vector.shape_cast %get3A_191 : vector<1x16xi32> to vector<16xi32>
    %min3A_193 = arith.constant 1 : i32
    %min3A_194 = vector.broadcast %min3A_193 : i32 to vector<16xi32>
    %min3A_195 = arith.minsi %get3A_192, %min3A_194 : vector<16xi32>
    %add3A_196 = arith.addi %add3A_187, %min3A_195 : vector<16xi32>
    %get3A_197 = arith.constant 126 : i32
    %get3A_198 = arith.index_cast %get3A_197 : i32 to index
    %get3A_199 = arith.constant 176 : index
    %get3A_200 = tpu.vector_load %arg5[%get3A_198, %get3A_199] {strides = array<i32>} : memref<128x200xi32, #tpu.memory_space<vmem>>, vector<1x16xi32>,
    %get3A_201 = vector.shape_cast %get3A_200 : vector<1x16xi32> to vector<16xi32>
    %min3A_202 = arith.constant 1 : i32
    %min3A_203 = vector.broadcast %min3A_202 : i32 to vector<16xi32>
    %min3A_204 = arith.minsi %get3A_201, %min3A_203 : vector<16xi32>
    %add3A_205 = arith.addi %add3A_196, %min3A_204 : vector<16xi32>
    %get3A_206 = arith.constant 126 : i32
    %get3A_207 = arith.index_cast %get3A_206 : i32 to index
    %get3A_208 = arith.constant 184 : index
    %get3A_209 = tpu.vector_load %arg5[%get3A_207, %get3A_208] {strides = array<i32>} : memref<128x200xi32, #tpu.memory_space<vmem>>, vector<1x16xi32>,
    %get3A_210 = vector.shape_cast %get3A_209 : vector<1x16xi32> to vector<16xi32>
    %min3A_211 = arith.constant 1 : i32
    %min3A_212 = vector.broadcast %min3A_211 : i32 to vector<16xi32>
    %min3A_213 = arith.minsi %get3A_210, %min3A_212 : vector<16xi32>
    %mul3A_214 = arith.muli %min3A_213, %min3A_47 : vector<16xi32>
    %add3A_215 = arith.addi %add3A_205, %mul3A_214 : vector<16xi32>
    %convert_element_type3A = arith.sitofp %add3A_215 : vector<16xi32> to vector<16xf32>
    %xor3A = arith.constant 8 : i32
    %xor3A_216 = vector.broadcast %xor3A : i32 to vector<16xi32>
    %xor3A_217 = arith.xori %iota3A, %xor3A_216 : vector<16xi32>
    %lt3A = arith.constant 0 : i32
    %lt3A_218 = vector.broadcast %lt3A : i32 to vector<16xi32>
    %lt3A_219 = arith.cmpi slt, %xor3A_217, %lt3A_218 : vector<16xi32>
    %add3A_220 = arith.constant 16 : i32
    %add3A_221 = vector.broadcast %add3A_220 : i32 to vector<16xi32>
    %add3A_222 = arith.addi %xor3A_217, %add3A_221 : vector<16xi32>
    %select_n3A = arith.select %lt3A_219, %add3A_222, %xor3A_217 : vector<16xi1>, vector<16xi32>
    %broadcast_in_dim3A_223 = vector.shape_cast %select_n3A : vector<16xi32> to vector<16x1xi32>
    %gather3A = vector.shape_cast %broadcast_in_dim3A_223 : vector<16x1xi32> to vector<16xi32>
    %gather3A_224 = tpu.dynamic_gather %convert_element_type3A[%gather3A] in [0] : vector<16xf32>, vector<16xi32> -> vector<16xf32>
    %add3A_225 = arith.addf %convert_element_type3A, %gather3A_224 : vector<16xf32>
    %xor3A_226 = arith.constant 4 : i32
    %xor3A_227 = vector.broadcast %xor3A_226 : i32 to vector<16xi32>
    %xor3A_228 = arith.xori %iota3A, %xor3A_227 : vector<16xi32>
    %lt3A_229 = arith.constant 0 : i32
    %lt3A_230 = vector.broadcast %lt3A_229 : i32 to vector<16xi32>
    %lt3A_231 = arith.cmpi slt, %xor3A_228, %lt3A_230 : vector<16xi32>
    %add3A_232 = arith.constant 16 : i32
    %add3A_233 = vector.broadcast %add3A_232 : i32 to vector<16xi32>
    %add3A_234 = arith.addi %xor3A_228, %add3A_233 : vector<16xi32>
    %select_n3A_235 = arith.select %lt3A_231, %add3A_234, %xor3A_228 : vector<16xi1>, vector<16xi32>
    %broadcast_in_dim3A_236 = vector.shape_cast %select_n3A_235 : vector<16xi32> to vector<16x1xi32>
    %gather3A_237 = vector.shape_cast %broadcast_in_dim3A_236 : vector<16x1xi32> to vector<16xi32>
    %gather3A_238 = tpu.dynamic_gather %add3A_225[%gather3A_237] in [0] : vector<16xf32>, vector<16xi32> -> vector<16xf32>
    %add3A_239 = arith.addf %add3A_225, %gather3A_238 : vector<16xf32>
    %xor3A_240 = arith.constant 2 : i32
    %xor3A_241 = vector.broadcast %xor3A_240 : i32 to vector<16xi32>
    %xor3A_242 = arith.xori %iota3A, %xor3A_241 : vector<16xi32>
    %lt3A_243 = arith.constant 0 : i32
    %lt3A_244 = vector.broadcast %lt3A_243 : i32 to vector<16xi32>
    %lt3A_245 = arith.cmpi slt, %xor3A_242, %lt3A_244 : vector<16xi32>
    %add3A_246 = arith.constant 16 : i32
    %add3A_247 = vector.broadcast %add3A_246 : i32 to vector<16xi32>
    %add3A_248 = arith.addi %xor3A_242, %add3A_247 : vector<16xi32>
    %select_n3A_249 = arith.select %lt3A_245, %add3A_248, %xor3A_242 : vector<16xi1>, vector<16xi32>
    %broadcast_in_dim3A_250 = vector.shape_cast %select_n3A_249 : vector<16xi32> to vector<16x1xi32>
    %gather3A_251 = vector.shape_cast %broadcast_in_dim3A_250 : vector<16x1xi32> to vector<16xi32>
    %gather3A_252 = tpu.dynamic_gather %add3A_239[%gather3A_251] in [0] : vector<16xf32>, vector<16xi32> -> vector<16xf32>
    %add3A_253 = arith.addf %add3A_239, %gather3A_252 : vector<16xf32>
    %xor3A_254 = arith.constant 1 : i32
    %xor3A_255 = vector.broadcast %xor3A_254 : i32 to vector<16xi32>
    %xor3A_256 = arith.xori %iota3A, %xor3A_255 : vector<16xi32>
    %lt3A_257 = arith.constant 0 : i32
    %lt3A_258 = vector.broadcast %lt3A_257 : i32 to vector<16xi32>
    %lt3A_259 = arith.cmpi slt, %xor3A_256, %lt3A_258 : vector<16xi32>
    %add3A_260 = arith.constant 16 : i32
    %add3A_261 = vector.broadcast %add3A_260 : i32 to vector<16xi32>
    %add3A_262 = arith.addi %xor3A_256, %add3A_261 : vector<16xi32>
    %select_n3A_263 = arith.select %lt3A_259, %add3A_262, %xor3A_256 : vector<16xi1>, vector<16xi32>
    %broadcast_in_dim3A_264 = vector.shape_cast %select_n3A_263 : vector<16xi32> to vector<16x1xi32>
    %gather3A_265 = vector.shape_cast %broadcast_in_dim3A_264 : vector<16x1xi32> to vector<16xi32>
    %gather3A_266 = tpu.dynamic_gather %add3A_253[%gather3A_265] in [0] : vector<16xf32>, vector<16xi32> -> vector<16xf32>
    %add3A_267 = arith.addf %add3A_253, %gather3A_266 : vector<16xf32>
    %sub3A_268 = arith.constant 2.000000e+02 : f32
    %sub3A_269 = vector.broadcast %sub3A_268 : f32 to vector<16xf32>
    %sub3A_270 = arith.subf %sub3A_269, %add3A_267 : vector<16xf32>
    %max3A_271 = arith.constant 1.000000e+00 : f32
    %max3A_272 = vector.broadcast %max3A_271 : f32 to vector<16xf32>
    %max3A_273 = arith.maximumf %add3A_267, %max3A_272 : vector<16xf32>
    %div3A = arith.constant 1.000000e+00 : f32
    %div3A_274 = vector.broadcast %div3A : f32 to vector<16xf32>
    %div3A_275 = arith.divf %div3A_274, %max3A_273 : vector<16xf32>
    %broadcast_in_dim3A_276 = arith.constant 0.000000e+00 : f32
    %broadcast_in_dim3A_277 = vector.broadcast %broadcast_in_dim3A_276 : f32 to vector<16xf32>
    %broadcast_in_dim3A_278 = arith.constant 0.000000e+00 : f32
    %broadcast_in_dim3A_279 = vector.broadcast %broadcast_in_dim3A_278 : f32 to vector<16xf32>
    %broadcast_in_dim3A_280 = arith.constant 0.000000e+00 : f32
    %broadcast_in_dim3A_281 = vector.broadcast %broadcast_in_dim3A_280 : f32 to vector<16xf32>
    %broadcast_in_dim3A_282 = arith.constant 0.000000e+00 : f32
    %broadcast_in_dim3A_283 = vector.broadcast %broadcast_in_dim3A_282 : f32 to vector<16xf32>
    %broadcast_in_dim3A_284 = arith.constant 0.000000e+00 : f32
    %broadcast_in_dim3A_285 = vector.broadcast %broadcast_in_dim3A_284 : f32 to vector<16xf32>
    %broadcast_in_dim3A_286 = arith.constant 0.000000e+00 : f32
    %broadcast_in_dim3A_287 = vector.broadcast %broadcast_in_dim3A_286 : f32 to vector<16xf32>
    %broadcast_in_dim3A_288 = arith.constant 0.000000e+00 : f32
    %broadcast_in_dim3A_289 = vector.broadcast %broadcast_in_dim3A_288 : f32 to vector<16xf32>
    %broadcast_in_dim3A_290 = arith.constant 0.000000e+00 : f32
    %broadcast_in_dim3A_291 = vector.broadcast %broadcast_in_dim3A_290 : f32 to vector<16xf32>
    %scan3A_292 = arith.constant 0 : i32
    %scan3A_293 = arith.constant 200 : i32
    %scan3A_294 = arith.addi %scan3A_292, %scan3A_293 : i32
    %scan3A_295 = arith.constant 1 : i32
    %scan3A_296:8 = scf.for %scan3A_655 = %scan3A_292 to %scan3A_294 step %scan3A_295 iter_args(%scan3A_656 = %broadcast_in_dim3A_277, %scan3A_657 = %broadcast_in_dim3A_279, %scan3A_658 = %broadcast_in_dim3A_281, %scan3A_659 = %broadcast_in_dim3A_283, %scan3A_660 = %broadcast_in_dim3A_285, %scan3A_661 = %broadcast_in_dim3A_287, %scan3A_662 = %broadcast_in_dim3A_289, %scan3A_663 = %broadcast_in_dim3A_291) -> (vector<16xf32>, vector<16xf32>, vector<16xf32>, vector<16xf32>, vector<16xf32>, vector<16xf32>, vector<16xf32>, vector<16xf32>)  : i32 {
      %get3A_664 = arith.index_cast %scan3A_655 : i32 to index
      %get3A_665 = arith.constant 0 : index
      %get3A_666 = tpu.vector_load %arg6[%get3A_664, %get3A_665] {strides = array<i32>} : memref<200x128xf32, #tpu.memory_space<vmem>>, vector<1x16xf32>,
      %get3A_667 = vector.shape_cast %get3A_666 : vector<1x16xf32> to vector<16xf32>
      %add3A_668 = arith.addf %scan3A_656, %get3A_667 : vector<16xf32>
      %get3A_669 = arith.index_cast %scan3A_655 : i32 to index
      %get3A_670 = arith.constant 16 : index
      %get3A_671 = tpu.vector_load %arg6[%get3A_669, %get3A_670] {strides = array<i32>} : memref<200x128xf32, #tpu.memory_space<vmem>>, vector<1x16xf32>,
      %get3A_672 = vector.shape_cast %get3A_671 : vector<1x16xf32> to vector<16xf32>
      %add3A_673 = arith.addf %scan3A_657, %get3A_672 : vector<16xf32>
      %get3A_674 = arith.index_cast %scan3A_655 : i32 to index
      %get3A_675 = arith.constant 32 : index
      %get3A_676 = tpu.vector_load %arg6[%get3A_674, %get3A_675] {strides = array<i32>} : memref<200x128xf32, #tpu.memory_space<vmem>>, vector<1x16xf32>,
      %get3A_677 = vector.shape_cast %get3A_676 : vector<1x16xf32> to vector<16xf32>
      %add3A_678 = arith.addf %scan3A_658, %get3A_677 : vector<16xf32>
      %get3A_679 = arith.index_cast %scan3A_655 : i32 to index
      %get3A_680 = arith.constant 48 : index
      %get3A_681 = tpu.vector_load %arg6[%get3A_679, %get3A_680] {strides = array<i32>} : memref<200x128xf32, #tpu.memory_space<vmem>>, vector<1x16xf32>,
      %get3A_682 = vector.shape_cast %get3A_681 : vector<1x16xf32> to vector<16xf32>
      %add3A_683 = arith.addf %scan3A_659, %get3A_682 : vector<16xf32>
      %get3A_684 = arith.index_cast %scan3A_655 : i32 to index
      %get3A_685 = arith.constant 64 : index
      %get3A_686 = tpu.vector_load %arg6[%get3A_684, %get3A_685] {strides = array<i32>} : memref<200x128xf32, #tpu.memory_space<vmem>>, vector<1x16xf32>,
      %get3A_687 = vector.shape_cast %get3A_686 : vector<1x16xf32> to vector<16xf32>
      %add3A_688 = arith.addf %scan3A_660, %get3A_687 : vector<16xf32>
      %get3A_689 = arith.index_cast %scan3A_655 : i32 to index
      %get3A_690 = arith.constant 80 : index
      %get3A_691 = tpu.vector_load %arg6[%get3A_689, %get3A_690] {strides = array<i32>} : memref<200x128xf32, #tpu.memory_space<vmem>>, vector<1x16xf32>,
      %get3A_692 = vector.shape_cast %get3A_691 : vector<1x16xf32> to vector<16xf32>
      %add3A_693 = arith.addf %scan3A_661, %get3A_692 : vector<16xf32>
      %get3A_694 = arith.index_cast %scan3A_655 : i32 to index
      %get3A_695 = arith.constant 96 : index
      %get3A_696 = tpu.vector_load %arg6[%get3A_694, %get3A_695] {strides = array<i32>} : memref<200x128xf32, #tpu.memory_space<vmem>>, vector<1x16xf32>,
      %get3A_697 = vector.shape_cast %get3A_696 : vector<1x16xf32> to vector<16xf32>
      %add3A_698 = arith.addf %scan3A_662, %get3A_697 : vector<16xf32>
      %get3A_699 = arith.index_cast %scan3A_655 : i32 to index
      %get3A_700 = arith.constant 112 : index
      %get3A_701 = tpu.vector_load %arg6[%get3A_699, %get3A_700] {strides = array<i32>} : memref<200x128xf32, #tpu.memory_space<vmem>>, vector<1x16xf32>,
      %get3A_702 = vector.shape_cast %get3A_701 : vector<1x16xf32> to vector<16xf32>
      %add3A_703 = arith.addf %scan3A_663, %get3A_702 : vector<16xf32>
      scf.yield %add3A_668, %add3A_673, %add3A_678, %add3A_683, %add3A_688, %add3A_693, %add3A_698, %add3A_703 : vector<16xf32>, vector<16xf32>, vector<16xf32>, vector<16xf32>, vector<16xf32>, vector<16xf32>, vector<16xf32>, vector<16xf32>
    }
    %scan3A_297 = arith.constant 200 : i32
    %mul3A_298 = arith.mulf %sub3A_270, %get3A_6 : vector<16xf32>
    %sub3A_299 = arith.subf %scan3A_296#0, %mul3A_298 : vector<16xf32>
    %mul3A_300 = arith.mulf %sub3A_299, %div3A_275 : vector<16xf32>
    %swap3A = arith.constant 126 : i32
    %swap3A_301 = arith.index_cast %swap3A : i32 to index
    %swap3A_302 = arith.constant 0 : index
    %swap3A_303 = tpu.vector_load %arg9[%swap3A_301, %swap3A_302] {strides = array<i32>} : memref<128x128xf32, #tpu.memory_space<vmem>>, vector<1x16xf32>,
    %swap3A_304 = vector.shape_cast %swap3A_303 : vector<1x16xf32> to vector<16xf32>
    %swap3A_305 = vector.shape_cast %mul3A_300 : vector<16xf32> to vector<1x16xf32>
    tpu.vector_store %arg9[%swap3A_301, %swap3A_302], %swap3A_305 {strides = array<i32>} : memref<128x128xf32, #tpu.memory_space<vmem>>, vector<1x16xf32>,
    %mul3A_306 = arith.mulf %sub3A_270, %get3A_11 : vector<16xf32>
    %sub3A_307 = arith.subf %scan3A_296#1, %mul3A_306 : vector<16xf32>
    %mul3A_308 = arith.mulf %sub3A_307, %div3A_275 : vector<16xf32>
    %swap3A_309 = arith.constant 126 : i32
    %swap3A_310 = arith.index_cast %swap3A_309 : i32 to index
    %swap3A_311 = arith.constant 16 : index
    %swap3A_312 = tpu.vector_load %arg9[%swap3A_310, %swap3A_311] {strides = array<i32>} : memref<128x128xf32, #tpu.memory_space<vmem>>, vector<1x16xf32>,
    %swap3A_313 = vector.shape_cast %swap3A_312 : vector<1x16xf32> to vector<16xf32>
    %swap3A_314 = vector.shape_cast %mul3A_308 : vector<16xf32> to vector<1x16xf32>
    tpu.vector_store %arg9[%swap3A_310, %swap3A_311], %swap3A_314 {strides = array<i32>} : memref<128x128xf32, #tpu.memory_space<vmem>>, vector<1x16xf32>,
    %mul3A_315 = arith.mulf %sub3A_270, %get3A_16 : vector<16xf32>
    %sub3A_316 = arith.subf %scan3A_296#2, %mul3A_315 : vector<16xf32>
    %mul3A_317 = arith.mulf %sub3A_316, %div3A_275 : vector<16xf32>
    %swap3A_318 = arith.constant 126 : i32
    %swap3A_319 = arith.index_cast %swap3A_318 : i32 to index
    %swap3A_320 = arith.constant 32 : index
    %swap3A_321 = tpu.vector_load %arg9[%swap3A_319, %swap3A_320] {strides = array<i32>} : memref<128x128xf32, #tpu.memory_space<vmem>>, vector<1x16xf32>,
    %swap3A_322 = vector.shape_cast %swap3A_321 : vector<1x16xf32> to vector<16xf32>
    %swap3A_323 = vector.shape_cast %mul3A_317 : vector<16xf32> to vector<1x16xf32>
    tpu.vector_store %arg9[%swap3A_319, %swap3A_320], %swap3A_323 {strides = array<i32>} : memref<128x128xf32, #tpu.memory_space<vmem>>, vector<1x16xf32>,
    %mul3A_324 = arith.mulf %sub3A_270, %get3A_21 : vector<16xf32>
    %sub3A_325 = arith.subf %scan3A_296#3, %mul3A_324 : vector<16xf32>
    %mul3A_326 = arith.mulf %sub3A_325, %div3A_275 : vector<16xf32>
    %swap3A_327 = arith.constant 126 : i32
    %swap3A_328 = arith.index_cast %swap3A_327 : i32 to index
    %swap3A_329 = arith.constant 48 : index
    %swap3A_330 = tpu.vector_load %arg9[%swap3A_328, %swap3A_329] {strides = array<i32>} : memref<128x128xf32, #tpu.memory_space<vmem>>, vector<1x16xf32>,
    %swap3A_331 = vector.shape_cast %swap3A_330 : vector<1x16xf32> to vector<16xf32>
    %swap3A_332 = vector.shape_cast %mul3A_326 : vector<16xf32> to vector<1x16xf32>
    tpu.vector_store %arg9[%swap3A_328, %swap3A_329], %swap3A_332 {strides = array<i32>} : memref<128x128xf32, #tpu.memory_space<vmem>>, vector<1x16xf32>,
    %mul3A_333 = arith.mulf %sub3A_270, %get3A_26 : vector<16xf32>
    %sub3A_334 = arith.subf %scan3A_296#4, %mul3A_333 : vector<16xf32>
    %mul3A_335 = arith.mulf %sub3A_334, %div3A_275 : vector<16xf32>
    %swap3A_336 = arith.constant 126 : i32
    %swap3A_337 = arith.index_cast %swap3A_336 : i32 to index
    %swap3A_338 = arith.constant 64 : index
    %swap3A_339 = tpu.vector_load %arg9[%swap3A_337, %swap3A_338] {strides = array<i32>} : memref<128x128xf32, #tpu.memory_space<vmem>>, vector<1x16xf32>,
    %swap3A_340 = vector.shape_cast %swap3A_339 : vector<1x16xf32> to vector<16xf32>
    %swap3A_341 = vector.shape_cast %mul3A_335 : vector<16xf32> to vector<1x16xf32>
    tpu.vector_store %arg9[%swap3A_337, %swap3A_338], %swap3A_341 {strides = array<i32>} : memref<128x128xf32, #tpu.memory_space<vmem>>, vector<1x16xf32>,
    %mul3A_342 = arith.mulf %sub3A_270, %get3A_31 : vector<16xf32>
    %sub3A_343 = arith.subf %scan3A_296#5, %mul3A_342 : vector<16xf32>
    %mul3A_344 = arith.mulf %sub3A_343, %div3A_275 : vector<16xf32>
    %swap3A_345 = arith.constant 126 : i32
    %swap3A_346 = arith.index_cast %swap3A_345 : i32 to index
    %swap3A_347 = arith.constant 80 : index
    %swap3A_348 = tpu.vector_load %arg9[%swap3A_346, %swap3A_347] {strides = array<i32>} : memref<128x128xf32, #tpu.memory_space<vmem>>, vector<1x16xf32>,
    %swap3A_349 = vector.shape_cast %swap3A_348 : vector<1x16xf32> to vector<16xf32>
    %swap3A_350 = vector.shape_cast %mul3A_344 : vector<16xf32> to vector<1x16xf32>
    tpu.vector_store %arg9[%swap3A_346, %swap3A_347], %swap3A_350 {strides = array<i32>} : memref<128x128xf32, #tpu.memory_space<vmem>>, vector<1x16xf32>,
    %mul3A_351 = arith.mulf %sub3A_270, %get3A_36 : vector<16xf32>
    %sub3A_352 = arith.subf %scan3A_296#6, %mul3A_351 : vector<16xf32>
    %mul3A_353 = arith.mulf %sub3A_352, %div3A_275 : vector<16xf32>
    %swap3A_354 = arith.constant 126 : i32
    %swap3A_355 = arith.index_cast %swap3A_354 : i32 to index
    %swap3A_356 = arith.constant 96 : index
    %swap3A_357 = tpu.vector_load %arg9[%swap3A_355, %swap3A_356] {strides = array<i32>} : memref<128x128xf32, #tpu.memory_space<vmem>>, vector<1x16xf32>,
    %swap3A_358 = vector.shape_cast %swap3A_357 : vector<1x16xf32> to vector<16xf32>
    %swap3A_359 = vector.shape_cast %mul3A_353 : vector<16xf32> to vector<1x16xf32>
    tpu.vector_store %arg9[%swap3A_355, %swap3A_356], %swap3A_359 {strides = array<i32>} : memref<128x128xf32, #tpu.memory_space<vmem>>, vector<1x16xf32>,
    %mul3A_360 = arith.mulf %sub3A_270, %get3A_41 : vector<16xf32>
    %sub3A_361 = arith.subf %scan3A_296#7, %mul3A_360 : vector<16xf32>
    %mul3A_362 = arith.mulf %sub3A_361, %div3A_275 : vector<16xf32>
    %swap3A_363 = arith.constant 126 : i32
    %swap3A_364 = arith.index_cast %swap3A_363 : i32 to index
    %swap3A_365 = arith.constant 112 : index
    %swap3A_366 = tpu.vector_load %arg9[%swap3A_364, %swap3A_365] {strides = array<i32>} : memref<128x128xf32, #tpu.memory_space<vmem>>, vector<1x16xf32>,
    %swap3A_367 = vector.shape_cast %swap3A_366 : vector<1x16xf32> to vector<16xf32>
    %swap3A_368 = vector.shape_cast %mul3A_362 : vector<16xf32> to vector<1x16xf32>
    tpu.vector_store %arg9[%swap3A_364, %swap3A_365], %swap3A_368 {strides = array<i32>} : memref<128x128xf32, #tpu.memory_space<vmem>>, vector<1x16xf32>,
    %dma_wait3A_369 = arith.constant 0 : i32
    %dma_wait3A_370 = arith.constant 0 : i32
    %dma_wait3A_371 = tpu.memref_slice %arg3[%dma_wait3A_369, %dma_wait3A_370] : memref<100000x128xf32, #tpu.memory_space<hbm>> -> memref<200x128xf32, #tpu.memory_space<hbm>>
    %dma_wait3A_372 = arith.constant 0 : i32
    %dma_wait3A_373 = arith.constant 0 : i32
    %dma_wait3A_374 = tpu.memref_slice %arg3[%dma_wait3A_372, %dma_wait3A_373] : memref<100000x128xf32, #tpu.memory_space<hbm>> -> memref<200x128xf32, #tpu.memory_space<hbm>>
    tpu.wait_dma2 semaphore(%arg11 : memref<!tpu.dma_semaphore, #tpu.memory_space<semaphore_mem>>) src(%dma_wait3A_374 : memref<200x128xf32, #tpu.memory_space<hbm>>) dst(%arg7 : memref<200x128xf32, #tpu.memory_space<vmem>>)
    %broadcast_in_dim3A_375 = arith.constant 0 : i32
    %broadcast_in_dim3A_376 = vector.broadcast %broadcast_in_dim3A_375 : i32 to vector<16xi32>
    %get3A_377 = arith.constant 127 : i32
    %get3A_378 = arith.index_cast %get3A_377 : i32 to index
    %get3A_379 = arith.constant 0 : index
    %get3A_380 = tpu.vector_load %arg5[%get3A_378, %get3A_379] {strides = array<i32>} : memref<128x200xi32, #tpu.memory_space<vmem>>, vector<1x16xi32>,
    %get3A_381 = vector.shape_cast %get3A_380 : vector<1x16xi32> to vector<16xi32>
    %min3A_382 = arith.constant 1 : i32
    %min3A_383 = vector.broadcast %min3A_382 : i32 to vector<16xi32>
    %min3A_384 = arith.minsi %get3A_381, %min3A_383 : vector<16xi32>
    %add3A_385 = arith.addi %broadcast_in_dim3A_376, %min3A_384 : vector<16xi32>
    %get3A_386 = arith.constant 127 : i32
    %get3A_387 = arith.index_cast %get3A_386 : i32 to index
    %get3A_388 = arith.constant 16 : index
    %get3A_389 = tpu.vector_load %arg5[%get3A_387, %get3A_388] {strides = array<i32>} : memref<128x200xi32, #tpu.memory_space<vmem>>, vector<1x16xi32>,
    %get3A_390 = vector.shape_cast %get3A_389 : vector<1x16xi32> to vector<16xi32>
    %min3A_391 = arith.constant 1 : i32
    %min3A_392 = vector.broadcast %min3A_391 : i32 to vector<16xi32>
    %min3A_393 = arith.minsi %get3A_390, %min3A_392 : vector<16xi32>
    %add3A_394 = arith.addi %add3A_385, %min3A_393 : vector<16xi32>
    %get3A_395 = arith.constant 127 : i32
    %get3A_396 = arith.index_cast %get3A_395 : i32 to index
    %get3A_397 = arith.constant 32 : index
    %get3A_398 = tpu.vector_load %arg5[%get3A_396, %get3A_397] {strides = array<i32>} : memref<128x200xi32, #tpu.memory_space<vmem>>, vector<1x16xi32>,
    %get3A_399 = vector.shape_cast %get3A_398 : vector<1x16xi32> to vector<16xi32>
    %min3A_400 = arith.constant 1 : i32
    %min3A_401 = vector.broadcast %min3A_400 : i32 to vector<16xi32>
    %min3A_402 = arith.minsi %get3A_399, %min3A_401 : vector<16xi32>
    %add3A_403 = arith.addi %add3A_394, %min3A_402 : vector<16xi32>
    %get3A_404 = arith.constant 127 : i32
    %get3A_405 = arith.index_cast %get3A_404 : i32 to index
    %get3A_406 = arith.constant 48 : index
    %get3A_407 = tpu.vector_load %arg5[%get3A_405, %get3A_406] {strides = array<i32>} : memref<128x200xi32, #tpu.memory_space<vmem>>, vector<1x16xi32>,
    %get3A_408 = vector.shape_cast %get3A_407 : vector<1x16xi32> to vector<16xi32>
    %min3A_409 = arith.constant 1 : i32
    %min3A_410 = vector.broadcast %min3A_409 : i32 to vector<16xi32>
    %min3A_411 = arith.minsi %get3A_408, %min3A_410 : vector<16xi32>
    %add3A_412 = arith.addi %add3A_403, %min3A_411 : vector<16xi32>
    %get3A_413 = arith.constant 127 : i32
    %get3A_414 = arith.index_cast %get3A_413 : i32 to index
    %get3A_415 = arith.constant 64 : index
    %get3A_416 = tpu.vector_load %arg5[%get3A_414, %get3A_415] {strides = array<i32>} : memref<128x200xi32, #tpu.memory_space<vmem>>, vector<1x16xi32>,
    %get3A_417 = vector.shape_cast %get3A_416 : vector<1x16xi32> to vector<16xi32>
    %min3A_418 = arith.constant 1 : i32
    %min3A_419 = vector.broadcast %min3A_418 : i32 to vector<16xi32>
    %min3A_420 = arith.minsi %get3A_417, %min3A_419 : vector<16xi32>
    %add3A_421 = arith.addi %add3A_412, %min3A_420 : vector<16xi32>
    %get3A_422 = arith.constant 127 : i32
    %get3A_423 = arith.index_cast %get3A_422 : i32 to index
    %get3A_424 = arith.constant 80 : index
    %get3A_425 = tpu.vector_load %arg5[%get3A_423, %get3A_424] {strides = array<i32>} : memref<128x200xi32, #tpu.memory_space<vmem>>, vector<1x16xi32>,
    %get3A_426 = vector.shape_cast %get3A_425 : vector<1x16xi32> to vector<16xi32>
    %min3A_427 = arith.constant 1 : i32
    %min3A_428 = vector.broadcast %min3A_427 : i32 to vector<16xi32>
    %min3A_429 = arith.minsi %get3A_426, %min3A_428 : vector<16xi32>
    %add3A_430 = arith.addi %add3A_421, %min3A_429 : vector<16xi32>
    %get3A_431 = arith.constant 127 : i32
    %get3A_432 = arith.index_cast %get3A_431 : i32 to index
    %get3A_433 = arith.constant 96 : index
    %get3A_434 = tpu.vector_load %arg5[%get3A_432, %get3A_433] {strides = array<i32>} : memref<128x200xi32, #tpu.memory_space<vmem>>, vector<1x16xi32>,
    %get3A_435 = vector.shape_cast %get3A_434 : vector<1x16xi32> to vector<16xi32>
    %min3A_436 = arith.constant 1 : i32
    %min3A_437 = vector.broadcast %min3A_436 : i32 to vector<16xi32>
    %min3A_438 = arith.minsi %get3A_435, %min3A_437 : vector<16xi32>
    %add3A_439 = arith.addi %add3A_430, %min3A_438 : vector<16xi32>
    %get3A_440 = arith.constant 127 : i32
    %get3A_441 = arith.index_cast %get3A_440 : i32 to index
    %get3A_442 = arith.constant 112 : index
    %get3A_443 = tpu.vector_load %arg5[%get3A_441, %get3A_442] {strides = array<i32>} : memref<128x200xi32, #tpu.memory_space<vmem>>, vector<1x16xi32>,
    %get3A_444 = vector.shape_cast %get3A_443 : vector<1x16xi32> to vector<16xi32>
    %min3A_445 = arith.constant 1 : i32
    %min3A_446 = vector.broadcast %min3A_445 : i32 to vector<16xi32>
    %min3A_447 = arith.minsi %get3A_444, %min3A_446 : vector<16xi32>
    %add3A_448 = arith.addi %add3A_439, %min3A_447 : vector<16xi32>
    %get3A_449 = arith.constant 127 : i32
    %get3A_450 = arith.index_cast %get3A_449 : i32 to index
    %get3A_451 = arith.constant 128 : index
    %get3A_452 = tpu.vector_load %arg5[%get3A_450, %get3A_451] {strides = array<i32>} : memref<128x200xi32, #tpu.memory_space<vmem>>, vector<1x16xi32>,
    %get3A_453 = vector.shape_cast %get3A_452 : vector<1x16xi32> to vector<16xi32>
    %min3A_454 = arith.constant 1 : i32
    %min3A_455 = vector.broadcast %min3A_454 : i32 to vector<16xi32>
    %min3A_456 = arith.minsi %get3A_453, %min3A_455 : vector<16xi32>
    %add3A_457 = arith.addi %add3A_448, %min3A_456 : vector<16xi32>
    %get3A_458 = arith.constant 127 : i32
    %get3A_459 = arith.index_cast %get3A_458 : i32 to index
    %get3A_460 = arith.constant 144 : index
    %get3A_461 = tpu.vector_load %arg5[%get3A_459, %get3A_460] {strides = array<i32>} : memref<128x200xi32, #tpu.memory_space<vmem>>, vector<1x16xi32>,
    %get3A_462 = vector.shape_cast %get3A_461 : vector<1x16xi32> to vector<16xi32>
    %min3A_463 = arith.constant 1 : i32
    %min3A_464 = vector.broadcast %min3A_463 : i32 to vector<16xi32>
    %min3A_465 = arith.minsi %get3A_462, %min3A_464 : vector<16xi32>
    %add3A_466 = arith.addi %add3A_457, %min3A_465 : vector<16xi32>
    %get3A_467 = arith.constant 127 : i32
    %get3A_468 = arith.index_cast %get3A_467 : i32 to index
    %get3A_469 = arith.constant 160 : index
    %get3A_470 = tpu.vector_load %arg5[%get3A_468, %get3A_469] {strides = array<i32>} : memref<128x200xi32, #tpu.memory_space<vmem>>, vector<1x16xi32>,
    %get3A_471 = vector.shape_cast %get3A_470 : vector<1x16xi32> to vector<16xi32>
    %min3A_472 = arith.constant 1 : i32
    %min3A_473 = vector.broadcast %min3A_472 : i32 to vector<16xi32>
    %min3A_474 = arith.minsi %get3A_471, %min3A_473 : vector<16xi32>
    %add3A_475 = arith.addi %add3A_466, %min3A_474 : vector<16xi32>
    %get3A_476 = arith.constant 127 : i32
    %get3A_477 = arith.index_cast %get3A_476 : i32 to index
    %get3A_478 = arith.constant 176 : index
    %get3A_479 = tpu.vector_load %arg5[%get3A_477, %get3A_478] {strides = array<i32>} : memref<128x200xi32, #tpu.memory_space<vmem>>, vector<1x16xi32>,
    %get3A_480 = vector.shape_cast %get3A_479 : vector<1x16xi32> to vector<16xi32>
    %min3A_481 = arith.constant 1 : i32
    %min3A_482 = vector.broadcast %min3A_481 : i32 to vector<16xi32>
    %min3A_483 = arith.minsi %get3A_480, %min3A_482 : vector<16xi32>
    %add3A_484 = arith.addi %add3A_475, %min3A_483 : vector<16xi32>
    %get3A_485 = arith.constant 127 : i32
    %get3A_486 = arith.index_cast %get3A_485 : i32 to index
    %get3A_487 = arith.constant 184 : index
    %get3A_488 = tpu.vector_load %arg5[%get3A_486, %get3A_487] {strides = array<i32>} : memref<128x200xi32, #tpu.memory_space<vmem>>, vector<1x16xi32>,
    %get3A_489 = vector.shape_cast %get3A_488 : vector<1x16xi32> to vector<16xi32>
    %min3A_490 = arith.constant 1 : i32
    %min3A_491 = vector.broadcast %min3A_490 : i32 to vector<16xi32>
    %min3A_492 = arith.minsi %get3A_489, %min3A_491 : vector<16xi32>
    %mul3A_493 = arith.muli %min3A_492, %min3A_47 : vector<16xi32>
    %add3A_494 = arith.addi %add3A_484, %mul3A_493 : vector<16xi32>
    %convert_element_type3A_495 = arith.sitofp %add3A_494 : vector<16xi32> to vector<16xf32>
    %xor3A_496 = arith.constant 8 : i32
    %xor3A_497 = vector.broadcast %xor3A_496 : i32 to vector<16xi32>
    %xor3A_498 = arith.xori %iota3A, %xor3A_497 : vector<16xi32>
    %lt3A_499 = arith.constant 0 : i32
    %lt3A_500 = vector.broadcast %lt3A_499 : i32 to vector<16xi32>
    %lt3A_501 = arith.cmpi slt, %xor3A_498, %lt3A_500 : vector<16xi32>
    %add3A_502 = arith.constant 16 : i32
    %add3A_503 = vector.broadcast %add3A_502 : i32 to vector<16xi32>
    %add3A_504 = arith.addi %xor3A_498, %add3A_503 : vector<16xi32>
    %select_n3A_505 = arith.select %lt3A_501, %add3A_504, %xor3A_498 : vector<16xi1>, vector<16xi32>
    %broadcast_in_dim3A_506 = vector.shape_cast %select_n3A_505 : vector<16xi32> to vector<16x1xi32>
    %gather3A_507 = vector.shape_cast %broadcast_in_dim3A_506 : vector<16x1xi32> to vector<16xi32>
    %gather3A_508 = tpu.dynamic_gather %convert_element_type3A_495[%gather3A_507] in [0] : vector<16xf32>, vector<16xi32> -> vector<16xf32>
    %add3A_509 = arith.addf %convert_element_type3A_495, %gather3A_508 : vector<16xf32>
    %xor3A_510 = arith.constant 4 : i32
    %xor3A_511 = vector.broadcast %xor3A_510 : i32 to vector<16xi32>
    %xor3A_512 = arith.xori %iota3A, %xor3A_511 : vector<16xi32>
    %lt3A_513 = arith.constant 0 : i32
    %lt3A_514 = vector.broadcast %lt3A_513 : i32 to vector<16xi32>
    %lt3A_515 = arith.cmpi slt, %xor3A_512, %lt3A_514 : vector<16xi32>
    %add3A_516 = arith.constant 16 : i32
    %add3A_517 = vector.broadcast %add3A_516 : i32 to vector<16xi32>
    %add3A_518 = arith.addi %xor3A_512, %add3A_517 : vector<16xi32>
    %select_n3A_519 = arith.select %lt3A_515, %add3A_518, %xor3A_512 : vector<16xi1>, vector<16xi32>
    %broadcast_in_dim3A_520 = vector.shape_cast %select_n3A_519 : vector<16xi32> to vector<16x1xi32>
    %gather3A_521 = vector.shape_cast %broadcast_in_dim3A_520 : vector<16x1xi32> to vector<16xi32>
    %gather3A_522 = tpu.dynamic_gather %add3A_509[%gather3A_521] in [0] : vector<16xf32>, vector<16xi32> -> vector<16xf32>
    %add3A_523 = arith.addf %add3A_509, %gather3A_522 : vector<16xf32>
    %xor3A_524 = arith.constant 2 : i32
    %xor3A_525 = vector.broadcast %xor3A_524 : i32 to vector<16xi32>
    %xor3A_526 = arith.xori %iota3A, %xor3A_525 : vector<16xi32>
    %lt3A_527 = arith.constant 0 : i32
    %lt3A_528 = vector.broadcast %lt3A_527 : i32 to vector<16xi32>
    %lt3A_529 = arith.cmpi slt, %xor3A_526, %lt3A_528 : vector<16xi32>
    %add3A_530 = arith.constant 16 : i32
    %add3A_531 = vector.broadcast %add3A_530 : i32 to vector<16xi32>
    %add3A_532 = arith.addi %xor3A_526, %add3A_531 : vector<16xi32>
    %select_n3A_533 = arith.select %lt3A_529, %add3A_532, %xor3A_526 : vector<16xi1>, vector<16xi32>
    %broadcast_in_dim3A_534 = vector.shape_cast %select_n3A_533 : vector<16xi32> to vector<16x1xi32>
    %gather3A_535 = vector.shape_cast %broadcast_in_dim3A_534 : vector<16x1xi32> to vector<16xi32>
    %gather3A_536 = tpu.dynamic_gather %add3A_523[%gather3A_535] in [0] : vector<16xf32>, vector<16xi32> -> vector<16xf32>
    %add3A_537 = arith.addf %add3A_523, %gather3A_536 : vector<16xf32>
    %xor3A_538 = arith.constant 1 : i32
    %xor3A_539 = vector.broadcast %xor3A_538 : i32 to vector<16xi32>
    %xor3A_540 = arith.xori %iota3A, %xor3A_539 : vector<16xi32>
    %lt3A_541 = arith.constant 0 : i32
    %lt3A_542 = vector.broadcast %lt3A_541 : i32 to vector<16xi32>
    %lt3A_543 = arith.cmpi slt, %xor3A_540, %lt3A_542 : vector<16xi32>
    %add3A_544 = arith.constant 16 : i32
    %add3A_545 = vector.broadcast %add3A_544 : i32 to vector<16xi32>
    %add3A_546 = arith.addi %xor3A_540, %add3A_545 : vector<16xi32>
    %select_n3A_547 = arith.select %lt3A_543, %add3A_546, %xor3A_540 : vector<16xi1>, vector<16xi32>
    %broadcast_in_dim3A_548 = vector.shape_cast %select_n3A_547 : vector<16xi32> to vector<16x1xi32>
    %gather3A_549 = vector.shape_cast %broadcast_in_dim3A_548 : vector<16x1xi32> to vector<16xi32>
    %gather3A_550 = tpu.dynamic_gather %add3A_537[%gather3A_549] in [0] : vector<16xf32>, vector<16xi32> -> vector<16xf32>
    %add3A_551 = arith.addf %add3A_537, %gather3A_550 : vector<16xf32>
    %sub3A_552 = arith.constant 2.000000e+02 : f32
    %sub3A_553 = vector.broadcast %sub3A_552 : f32 to vector<16xf32>
    %sub3A_554 = arith.subf %sub3A_553, %add3A_551 : vector<16xf32>
    %max3A_555 = arith.constant 1.000000e+00 : f32
    %max3A_556 = vector.broadcast %max3A_555 : f32 to vector<16xf32>
    %max3A_557 = arith.maximumf %add3A_551, %max3A_556 : vector<16xf32>
    %div3A_558 = arith.constant 1.000000e+00 : f32
    %div3A_559 = vector.broadcast %div3A_558 : f32 to vector<16xf32>
    %div3A_560 = arith.divf %div3A_559, %max3A_557 : vector<16xf32>
    %broadcast_in_dim3A_561 = arith.constant 0.000000e+00 : f32
    %broadcast_in_dim3A_562 = vector.broadcast %broadcast_in_dim3A_561 : f32 to vector<16xf32>
    %broadcast_in_dim3A_563 = arith.constant 0.000000e+00 : f32
    %broadcast_in_dim3A_564 = vector.broadcast %broadcast_in_dim3A_563 : f32 to vector<16xf32>
    %broadcast_in_dim3A_565 = arith.constant 0.000000e+00 : f32
    %broadcast_in_dim3A_566 = vector.broadcast %broadcast_in_dim3A_565 : f32 to vector<16xf32>
    %broadcast_in_dim3A_567 = arith.constant 0.000000e+00 : f32
    %broadcast_in_dim3A_568 = vector.broadcast %broadcast_in_dim3A_567 : f32 to vector<16xf32>
    %broadcast_in_dim3A_569 = arith.constant 0.000000e+00 : f32
    %broadcast_in_dim3A_570 = vector.broadcast %broadcast_in_dim3A_569 : f32 to vector<16xf32>
    %broadcast_in_dim3A_571 = arith.constant 0.000000e+00 : f32
    %broadcast_in_dim3A_572 = vector.broadcast %broadcast_in_dim3A_571 : f32 to vector<16xf32>
    %broadcast_in_dim3A_573 = arith.constant 0.000000e+00 : f32
    %broadcast_in_dim3A_574 = vector.broadcast %broadcast_in_dim3A_573 : f32 to vector<16xf32>
    %broadcast_in_dim3A_575 = arith.constant 0.000000e+00 : f32
    %broadcast_in_dim3A_576 = vector.broadcast %broadcast_in_dim3A_575 : f32 to vector<16xf32>
    %scan3A_577 = arith.constant 0 : i32
    %scan3A_578 = arith.constant 200 : i32
    %scan3A_579 = arith.addi %scan3A_577, %scan3A_578 : i32
    %scan3A_580 = arith.constant 1 : i32
    %scan3A_581:8 = scf.for %scan3A_655 = %scan3A_577 to %scan3A_579 step %scan3A_580 iter_args(%scan3A_656 = %broadcast_in_dim3A_562, %scan3A_657 = %broadcast_in_dim3A_564, %scan3A_658 = %broadcast_in_dim3A_566, %scan3A_659 = %broadcast_in_dim3A_568, %scan3A_660 = %broadcast_in_dim3A_570, %scan3A_661 = %broadcast_in_dim3A_572, %scan3A_662 = %broadcast_in_dim3A_574, %scan3A_663 = %broadcast_in_dim3A_576) -> (vector<16xf32>, vector<16xf32>, vector<16xf32>, vector<16xf32>, vector<16xf32>, vector<16xf32>, vector<16xf32>, vector<16xf32>)  : i32 {
      %get3A_664 = arith.index_cast %scan3A_655 : i32 to index
      %get3A_665 = arith.constant 0 : index
      %get3A_666 = tpu.vector_load %arg7[%get3A_664, %get3A_665] {strides = array<i32>} : memref<200x128xf32, #tpu.memory_space<vmem>>, vector<1x16xf32>,
      %get3A_667 = vector.shape_cast %get3A_666 : vector<1x16xf32> to vector<16xf32>
      %add3A_668 = arith.addf %scan3A_656, %get3A_667 : vector<16xf32>
      %get3A_669 = arith.index_cast %scan3A_655 : i32 to index
      %get3A_670 = arith.constant 16 : index
      %get3A_671 = tpu.vector_load %arg7[%get3A_669, %get3A_670] {strides = array<i32>} : memref<200x128xf32, #tpu.memory_space<vmem>>, vector<1x16xf32>,
      %get3A_672 = vector.shape_cast %get3A_671 : vector<1x16xf32> to vector<16xf32>
      %add3A_673 = arith.addf %scan3A_657, %get3A_672 : vector<16xf32>
      %get3A_674 = arith.index_cast %scan3A_655 : i32 to index
      %get3A_675 = arith.constant 32 : index
      %get3A_676 = tpu.vector_load %arg7[%get3A_674, %get3A_675] {strides = array<i32>} : memref<200x128xf32, #tpu.memory_space<vmem>>, vector<1x16xf32>,
      %get3A_677 = vector.shape_cast %get3A_676 : vector<1x16xf32> to vector<16xf32>
      %add3A_678 = arith.addf %scan3A_658, %get3A_677 : vector<16xf32>
      %get3A_679 = arith.index_cast %scan3A_655 : i32 to index
      %get3A_680 = arith.constant 48 : index
      %get3A_681 = tpu.vector_load %arg7[%get3A_679, %get3A_680] {strides = array<i32>} : memref<200x128xf32, #tpu.memory_space<vmem>>, vector<1x16xf32>,
      %get3A_682 = vector.shape_cast %get3A_681 : vector<1x16xf32> to vector<16xf32>
      %add3A_683 = arith.addf %scan3A_659, %get3A_682 : vector<16xf32>
      %get3A_684 = arith.index_cast %scan3A_655 : i32 to index
      %get3A_685 = arith.constant 64 : index
      %get3A_686 = tpu.vector_load %arg7[%get3A_684, %get3A_685] {strides = array<i32>} : memref<200x128xf32, #tpu.memory_space<vmem>>, vector<1x16xf32>,
      %get3A_687 = vector.shape_cast %get3A_686 : vector<1x16xf32> to vector<16xf32>
      %add3A_688 = arith.addf %scan3A_660, %get3A_687 : vector<16xf32>
      %get3A_689 = arith.index_cast %scan3A_655 : i32 to index
      %get3A_690 = arith.constant 80 : index
      %get3A_691 = tpu.vector_load %arg7[%get3A_689, %get3A_690] {strides = array<i32>} : memref<200x128xf32, #tpu.memory_space<vmem>>, vector<1x16xf32>,
      %get3A_692 = vector.shape_cast %get3A_691 : vector<1x16xf32> to vector<16xf32>
      %add3A_693 = arith.addf %scan3A_661, %get3A_692 : vector<16xf32>
      %get3A_694 = arith.index_cast %scan3A_655 : i32 to index
      %get3A_695 = arith.constant 96 : index
      %get3A_696 = tpu.vector_load %arg7[%get3A_694, %get3A_695] {strides = array<i32>} : memref<200x128xf32, #tpu.memory_space<vmem>>, vector<1x16xf32>,
      %get3A_697 = vector.shape_cast %get3A_696 : vector<1x16xf32> to vector<16xf32>
      %add3A_698 = arith.addf %scan3A_662, %get3A_697 : vector<16xf32>
      %get3A_699 = arith.index_cast %scan3A_655 : i32 to index
      %get3A_700 = arith.constant 112 : index
      %get3A_701 = tpu.vector_load %arg7[%get3A_699, %get3A_700] {strides = array<i32>} : memref<200x128xf32, #tpu.memory_space<vmem>>, vector<1x16xf32>,
      %get3A_702 = vector.shape_cast %get3A_701 : vector<1x16xf32> to vector<16xf32>
      %add3A_703 = arith.addf %scan3A_663, %get3A_702 : vector<16xf32>
      scf.yield %add3A_668, %add3A_673, %add3A_678, %add3A_683, %add3A_688, %add3A_693, %add3A_698, %add3A_703 : vector<16xf32>, vector<16xf32>, vector<16xf32>, vector<16xf32>, vector<16xf32>, vector<16xf32>, vector<16xf32>, vector<16xf32>
    }
    %scan3A_582 = arith.constant 200 : i32
    %mul3A_583 = arith.mulf %sub3A_554, %get3A_6 : vector<16xf32>
    %sub3A_584 = arith.subf %scan3A_581#0, %mul3A_583 : vector<16xf32>
    %mul3A_585 = arith.mulf %sub3A_584, %div3A_560 : vector<16xf32>
    %swap3A_586 = arith.constant 127 : i32
    %swap3A_587 = arith.index_cast %swap3A_586 : i32 to index
    %swap3A_588 = arith.constant 0 : index
    %swap3A_589 = tpu.vector_load %arg9[%swap3A_587, %swap3A_588] {strides = array<i32>} : memref<128x128xf32, #tpu.memory_space<vmem>>, vector<1x16xf32>,
    %swap3A_590 = vector.shape_cast %swap3A_589 : vector<1x16xf32> to vector<16xf32>
    %swap3A_591 = vector.shape_cast %mul3A_585 : vector<16xf32> to vector<1x16xf32>
    tpu.vector_store %arg9[%swap3A_587, %swap3A_588], %swap3A_591 {strides = array<i32>} : memref<128x128xf32, #tpu.memory_space<vmem>>, vector<1x16xf32>,
    %mul3A_592 = arith.mulf %sub3A_554, %get3A_11 : vector<16xf32>
    %sub3A_593 = arith.subf %scan3A_581#1, %mul3A_592 : vector<16xf32>
    %mul3A_594 = arith.mulf %sub3A_593, %div3A_560 : vector<16xf32>
    %swap3A_595 = arith.constant 127 : i32
    %swap3A_596 = arith.index_cast %swap3A_595 : i32 to index
    %swap3A_597 = arith.constant 16 : index
    %swap3A_598 = tpu.vector_load %arg9[%swap3A_596, %swap3A_597] {strides = array<i32>} : memref<128x128xf32, #tpu.memory_space<vmem>>, vector<1x16xf32>,
    %swap3A_599 = vector.shape_cast %swap3A_598 : vector<1x16xf32> to vector<16xf32>
    %swap3A_600 = vector.shape_cast %mul3A_594 : vector<16xf32> to vector<1x16xf32>
    tpu.vector_store %arg9[%swap3A_596, %swap3A_597], %swap3A_600 {strides = array<i32>} : memref<128x128xf32, #tpu.memory_space<vmem>>, vector<1x16xf32>,
    %mul3A_601 = arith.mulf %sub3A_554, %get3A_16 : vector<16xf32>
    %sub3A_602 = arith.subf %scan3A_581#2, %mul3A_601 : vector<16xf32>
    %mul3A_603 = arith.mulf %sub3A_602, %div3A_560 : vector<16xf32>
    %swap3A_604 = arith.constant 127 : i32
    %swap3A_605 = arith.index_cast %swap3A_604 : i32 to index
    %swap3A_606 = arith.constant 32 : index
    %swap3A_607 = tpu.vector_load %arg9[%swap3A_605, %swap3A_606] {strides = array<i32>} : memref<128x128xf32, #tpu.memory_space<vmem>>, vector<1x16xf32>,
    %swap3A_608 = vector.shape_cast %swap3A_607 : vector<1x16xf32> to vector<16xf32>
    %swap3A_609 = vector.shape_cast %mul3A_603 : vector<16xf32> to vector<1x16xf32>
    tpu.vector_store %arg9[%swap3A_605, %swap3A_606], %swap3A_609 {strides = array<i32>} : memref<128x128xf32, #tpu.memory_space<vmem>>, vector<1x16xf32>,
    %mul3A_610 = arith.mulf %sub3A_554, %get3A_21 : vector<16xf32>
    %sub3A_611 = arith.subf %scan3A_581#3, %mul3A_610 : vector<16xf32>
    %mul3A_612 = arith.mulf %sub3A_611, %div3A_560 : vector<16xf32>
    %swap3A_613 = arith.constant 127 : i32
    %swap3A_614 = arith.index_cast %swap3A_613 : i32 to index
    %swap3A_615 = arith.constant 48 : index
    %swap3A_616 = tpu.vector_load %arg9[%swap3A_614, %swap3A_615] {strides = array<i32>} : memref<128x128xf32, #tpu.memory_space<vmem>>, vector<1x16xf32>,
    %swap3A_617 = vector.shape_cast %swap3A_616 : vector<1x16xf32> to vector<16xf32>
    %swap3A_618 = vector.shape_cast %mul3A_612 : vector<16xf32> to vector<1x16xf32>
    tpu.vector_store %arg9[%swap3A_614, %swap3A_615], %swap3A_618 {strides = array<i32>} : memref<128x128xf32, #tpu.memory_space<vmem>>, vector<1x16xf32>,
    %mul3A_619 = arith.mulf %sub3A_554, %get3A_26 : vector<16xf32>
    %sub3A_620 = arith.subf %scan3A_581#4, %mul3A_619 : vector<16xf32>
    %mul3A_621 = arith.mulf %sub3A_620, %div3A_560 : vector<16xf32>
    %swap3A_622 = arith.constant 127 : i32
    %swap3A_623 = arith.index_cast %swap3A_622 : i32 to index
    %swap3A_624 = arith.constant 64 : index
    %swap3A_625 = tpu.vector_load %arg9[%swap3A_623, %swap3A_624] {strides = array<i32>} : memref<128x128xf32, #tpu.memory_space<vmem>>, vector<1x16xf32>,
    %swap3A_626 = vector.shape_cast %swap3A_625 : vector<1x16xf32> to vector<16xf32>
    %swap3A_627 = vector.shape_cast %mul3A_621 : vector<16xf32> to vector<1x16xf32>
    tpu.vector_store %arg9[%swap3A_623, %swap3A_624], %swap3A_627 {strides = array<i32>} : memref<128x128xf32, #tpu.memory_space<vmem>>, vector<1x16xf32>,
    %mul3A_628 = arith.mulf %sub3A_554, %get3A_31 : vector<16xf32>
    %sub3A_629 = arith.subf %scan3A_581#5, %mul3A_628 : vector<16xf32>
    %mul3A_630 = arith.mulf %sub3A_629, %div3A_560 : vector<16xf32>
    %swap3A_631 = arith.constant 127 : i32
    %swap3A_632 = arith.index_cast %swap3A_631 : i32 to index
    %swap3A_633 = arith.constant 80 : index
    %swap3A_634 = tpu.vector_load %arg9[%swap3A_632, %swap3A_633] {strides = array<i32>} : memref<128x128xf32, #tpu.memory_space<vmem>>, vector<1x16xf32>,
    %swap3A_635 = vector.shape_cast %swap3A_634 : vector<1x16xf32> to vector<16xf32>
    %swap3A_636 = vector.shape_cast %mul3A_630 : vector<16xf32> to vector<1x16xf32>
    tpu.vector_store %arg9[%swap3A_632, %swap3A_633], %swap3A_636 {strides = array<i32>} : memref<128x128xf32, #tpu.memory_space<vmem>>, vector<1x16xf32>,
    %mul3A_637 = arith.mulf %sub3A_554, %get3A_36 : vector<16xf32>
    %sub3A_638 = arith.subf %scan3A_581#6, %mul3A_637 : vector<16xf32>
    %mul3A_639 = arith.mulf %sub3A_638, %div3A_560 : vector<16xf32>
    %swap3A_640 = arith.constant 127 : i32
    %swap3A_641 = arith.index_cast %swap3A_640 : i32 to index
    %swap3A_642 = arith.constant 96 : index
    %swap3A_643 = tpu.vector_load %arg9[%swap3A_641, %swap3A_642] {strides = array<i32>} : memref<128x128xf32, #tpu.memory_space<vmem>>, vector<1x16xf32>,
    %swap3A_644 = vector.shape_cast %swap3A_643 : vector<1x16xf32> to vector<16xf32>
    %swap3A_645 = vector.shape_cast %mul3A_639 : vector<16xf32> to vector<1x16xf32>
    tpu.vector_store %arg9[%swap3A_641, %swap3A_642], %swap3A_645 {strides = array<i32>} : memref<128x128xf32, #tpu.memory_space<vmem>>, vector<1x16xf32>,
    %mul3A_646 = arith.mulf %sub3A_554, %get3A_41 : vector<16xf32>
    %sub3A_647 = arith.subf %scan3A_581#7, %mul3A_646 : vector<16xf32>
    %mul3A_648 = arith.mulf %sub3A_647, %div3A_560 : vector<16xf32>
    %swap3A_649 = arith.constant 127 : i32
    %swap3A_650 = arith.index_cast %swap3A_649 : i32 to index
    %swap3A_651 = arith.constant 112 : index
    %swap3A_652 = tpu.vector_load %arg9[%swap3A_650, %swap3A_651] {strides = array<i32>} : memref<128x128xf32, #tpu.memory_space<vmem>>, vector<1x16xf32>,
    %swap3A_653 = vector.shape_cast %swap3A_652 : vector<1x16xf32> to vector<16xf32>
    %swap3A_654 = vector.shape_cast %mul3A_648 : vector<16xf32> to vector<1x16xf32>
    tpu.vector_store %arg9[%swap3A_650, %swap3A_651], %swap3A_654 {strides = array<i32>} : memref<128x128xf32, #tpu.memory_space<vmem>>, vector<1x16xf32>,
    "tpu.region"() ({
      %run_scoped3A = tpu.sem_alloc : memref<!tpu.dma_semaphore, #tpu.memory_space<semaphore_mem>>
      %dma_start3A_655 = arith.constant 0 : i32
      %dma_start3A_656 = tpu.memref_slice %arg4[%mul3A_2, %dma_start3A_655] : memref<4096x128xf32, #tpu.memory_space<hbm>> -> memref<128x128xf32, #tpu.memory_space<hbm>>
      %dma_start3A_657 = arith.constant 0 : i32
      %dma_start3A_658 = tpu.memref_slice %arg4[%mul3A_2, %dma_start3A_657] : memref<4096x128xf32, #tpu.memory_space<hbm>> -> memref<128x128xf32, #tpu.memory_space<hbm>>
      tpu.enqueue_dma source(%arg9 : memref<128x128xf32, #tpu.memory_space<vmem>>) target(%dma_start3A_658 : memref<128x128xf32, #tpu.memory_space<hbm>>) target_semaphore(%run_scoped3A : memref<!tpu.dma_semaphore, #tpu.memory_space<semaphore_mem>>)
      %dma_wait3A_659 = arith.constant 0 : i32
      %dma_wait3A_660 = tpu.memref_slice %arg4[%mul3A_2, %dma_wait3A_659] : memref<4096x128xf32, #tpu.memory_space<hbm>> -> memref<128x128xf32, #tpu.memory_space<hbm>>
      %dma_wait3A_661 = arith.constant 0 : i32
      %dma_wait3A_662 = tpu.memref_slice %arg4[%mul3A_2, %dma_wait3A_661] : memref<4096x128xf32, #tpu.memory_space<hbm>> -> memref<128x128xf32, #tpu.memory_space<hbm>>
      tpu.wait_dma2 semaphore(%run_scoped3A : memref<!tpu.dma_semaphore, #tpu.memory_space<semaphore_mem>>) src(%arg9 : memref<128x128xf32, #tpu.memory_space<vmem>>) dst(%dma_wait3A_662 : memref<128x128xf32, #tpu.memory_space<hbm>>)
      tpu.yield
    }) : () -> ()
    return
  }
}

module attributes {stable_mosaic.version = 14 : i64} {
  func.func @_bn_body(%arg0: memref<4096x128xf32, #tpu.memory_space<vmem>>, %arg1: memref<1x128xf32, #tpu.memory_space<vmem>>, %arg2: memref<1x128xf32, #tpu.memory_space<vmem>>, %arg3: memref<4096x128xf32, #tpu.memory_space<vmem>>) attributes {dimension_semantics = [], scalar_prefetch = 0 : i64, scratch_operands = 0 : i64, tpu.core_type = #tpu.core_type<tc>} {
    %get3A = arith.constant 0 : index
    %get3A_0 = arith.constant 0 : index
    %get3A_1 = vector.load %arg0[%get3A, %get3A_0] : memref<4096x128xf32, #tpu.memory_space<vmem>>, vector<4096x128xf32>
    %reduce_sum3A = arith.constant dense<0.000000e+00> : vector<128xf32>
    %reduce_sum3A_2 = vector.multi_reduction <add>, %get3A_1, %reduce_sum3A [0] : vector<4096x128xf32> to vector<128xf32>
    %broadcast_in_dim3A = vector.shape_cast %reduce_sum3A_2 : vector<128xf32> to vector<1x128xf32>
    %div3A = arith.constant 4.096000e+03 : f32
    %div3A_3 = vector.broadcast %div3A : f32 to vector<1x128xf32>
    %div3A_4 = arith.divf %broadcast_in_dim3A, %div3A_3 : vector<1x128xf32>
    %sub3A = vector.broadcast %div3A_4 : vector<1x128xf32> to vector<4096x128xf32>
    %sub3A_5 = arith.subf %get3A_1, %sub3A : vector<4096x128xf32>
    %mul3A = arith.mulf %sub3A_5, %sub3A_5 : vector<4096x128xf32>
    %reduce_sum3A_6 = arith.constant dense<0.000000e+00> : vector<128xf32>
    %reduce_sum3A_7 = vector.multi_reduction <add>, %mul3A, %reduce_sum3A_6 [0] : vector<4096x128xf32> to vector<128xf32>
    %broadcast_in_dim3A_8 = vector.shape_cast %reduce_sum3A_7 : vector<128xf32> to vector<1x128xf32>
    %div3A_9 = arith.constant 4.096000e+03 : f32
    %div3A_10 = vector.broadcast %div3A_9 : f32 to vector<1x128xf32>
    %div3A_11 = arith.divf %broadcast_in_dim3A_8, %div3A_10 : vector<1x128xf32>
    %get3A_12 = arith.constant 0 : index
    %get3A_13 = arith.constant 0 : index
    %get3A_14 = vector.load %arg1[%get3A_12, %get3A_13] : memref<1x128xf32, #tpu.memory_space<vmem>>, vector<1x128xf32>
    %mul3A_15 = vector.broadcast %get3A_14 : vector<1x128xf32> to vector<4096x128xf32>
    %mul3A_16 = arith.mulf %mul3A_15, %sub3A_5 : vector<4096x128xf32>
    %add3A = arith.constant 9.99999974E-6 : f32
    %add3A_17 = vector.broadcast %add3A : f32 to vector<1x128xf32>
    %add3A_18 = arith.addf %div3A_11, %add3A_17 : vector<1x128xf32>
    %rsqrt3A = math.rsqrt %add3A_18 : vector<1x128xf32>
    %mul3A_19 = vector.broadcast %rsqrt3A : vector<1x128xf32> to vector<4096x128xf32>
    %mul3A_20 = arith.mulf %mul3A_16, %mul3A_19 : vector<4096x128xf32>
    %get3A_21 = arith.constant 0 : index
    %get3A_22 = arith.constant 0 : index
    %get3A_23 = vector.load %arg2[%get3A_21, %get3A_22] : memref<1x128xf32, #tpu.memory_space<vmem>>, vector<1x128xf32>
    %add3A_24 = vector.broadcast %get3A_23 : vector<1x128xf32> to vector<4096x128xf32>
    %add3A_25 = arith.addf %mul3A_20, %add3A_24 : vector<4096x128xf32>
    %swap3A = arith.constant 0 : index
    %swap3A_26 = arith.constant 0 : index
    %swap3A_27 = vector.load %arg3[%swap3A, %swap3A_26] : memref<4096x128xf32, #tpu.memory_space<vmem>>, vector<4096x128xf32>
    tpu.vector_store %arg3[%swap3A, %swap3A_26], %add3A_25 {strides = array<i32>} : memref<4096x128xf32, #tpu.memory_space<vmem>>, vector<4096x128xf32>,
    return
  }
}

</mosaic_0001>

<sc_bundles>
// kernel: kernel.4.cloned.1.call-start
scs
__scs_entry_jumppad:
0x0: {  	(pc) =	sbr.rel $0x88, $3  }
0x1: {  	(tag) =	ssettag $0x0;
	lr =	simm.s32 $0x1  }
0x2: {  	[smem:$0x3F9D] =	sst lr;
	_ =	strace $0xD0000000  }
0x3: {  	_ = 	snop  }
0x4: {  	_ = 	snop  }
0x5: {  	_ = 	snop  }
0x6: {  	_ = 	snop  }
0x7: {  	_ = 	snop  }
__scs_overlays_trampoline_lowered:
0x8: {  	[smem:$0x3FAC] =	sst s0  }
0x9: {  	[smem:$0x3FAD] =	sst s1  }
0xa: {  	[smem:$0x3FAE] =	sst s2  }
0xb: {  	[smem:$0x3FAF] =	sst s3  }
0xc: {  	[smem:$0x3FB0] =	sst s4  }
0xd: {  	[smem:$0x3FB1] =	sst s5  }
0xe: {  	[smem:$0x3FB2] =	sst s6  }
0xf: {  	[smem:$0x3FB3] =	sst s7  }
0x10: {  	[smem:$0x3FB4] =	sst s8  }
0x11: {  	[smem:$0x3FB5] =	sst s9;
	s0 =	simm.s32 @!p0 $0x0  }
0x12: {  	s1 =	sld [smem:$0x3F9B];
	s0 =	simm.s32 @p0 $0x1  }
0x13: {  	[smem:$0x3FB6] =	sst s0;
	s0 =	simm.s32 @!p1 $0x0  }
0x14: {  	s2 =	sld [smem:$0x3F9A];
	s0 =	simm.s32 @p1 $0x1  }
0x15: {  	[smem:$0x3FB7] =	sst s0;
	s0 =	simm.s32 @!p2 $0x0  }
0x16: {  	s3 =	sld [smem:$0x3FDB];
	s0 =	simm.s32 @p2 $0x1  }
0x17: {  	s4 =	simm.s32 $0x1BF5;
	[smem:$0x3FB9] =	sst s0  }
0x18: {  	s0 =	sld [smem:$0x3F9C];
	_ =	swait.ge [sflag:s4], $0x0  }
0x19: {  	s7 =	sld [smem:$0x3F9D]  }
0x1a: {  	s8 =	sadd.s32 $0xFFFFE003, lr  }
0x1b: {  	s9 =	sadd.s32 $0xFFFFFEF7, lr;
	s5 =	simm.s32 $0xFFFFFFFF;
	p2 =	slt.u32 s8, $0xFFFFF086  }
0x1c: {  	p1 =	slt.u32 s9, $0xF7A;
	s5 =	simm.s32 @!p2 $0x0  }
0x1d: {  	s5 =	simm.s32 @p1 $0x1;
	p0 =	seq.s32 s7, s2  }
0x1e: {  	s7 =	smul.u32 @!p0 $0xF7A, s2;
	p2 =	seq.s32 @!p0 s5, $0x0  }
0x1f: {  	s9 =	smul.u32 $0xF7A, s1;
	s8 =	simm.s32 @!p0 $0x1BF5;
	p2 =	por !p2, p0  }
0x20: {  	[sflag:s8] =	ssyncset.s32 @!p0 $0xFFFFF086;
	s6 =	sadd.s32 @!p0 s3, s7;
	s7 =	simm.s32 @!p0 $0x108  }
0x21: {  	s3 =	sadd.s32 s3, s9;
	s6 =	sadd.s32 @!p0 $0x88, s6;
	s7 =	simm.s32 @p2 $0x1082  }
0x22: {  	[simem:s7], [sflag:s8] =	dma.local @!p0 [hbm:s6], $0xF7A  }
0x23: {  	s9 =	sor.u32 $0xD0000000, s2;
	s6 =	simm.s32 $0x108;
	_ =	swait.ge @!p0 [sflag:s8], $0x0  }
0x24: {  	s3 =	sadd.s32 $0x88, s3;
	s6 =	simm.s32 @!p1 $0x1082;
	[sflag:s4] =	ssyncset.s32 $0xFFFFF086  }
0x25: {  	[simem:s6], [sflag:s4] =	dma.local [hbm:s3], $0xF7A  }
0x26: {  	[smem:$0x3F9D] =	sst s1;
	(tag) =	ssettag s2;
	_ =	strace s9  }
0x27: {  	s1 =	sld [smem:$0x3FAD]  }
0x28: {  	s2 =	sld [smem:$0x3FAE]  }
0x29: {  	s4 =	sld [smem:$0x3FB0]  }
0x2a: {  	p0 =	seq.s32 s5, $0x0;
	s5 =	sld [smem:$0x3FB1]  }
0x2b: {  	s6 =	sld [smem:$0x3FB2]  }
0x2c: {  	s7 =	sld [smem:$0x3FB3]  }
0x2d: {  	s3 =	simm.s32 $0x108;
	s8 =	sld [smem:$0x3FB4]  }
0x2e: {  	s3 =	simm.s32 @!p0 $0x1082;
	s9 =	sld [smem:$0x3FB5]  }
0x2f: {  	lr =	sadd.s32 s0, s3;
	s0 =	sld [smem:$0x3FAC]  }
0x30: {  	s3 =	sld [smem:$0x3FAF]  }
0x31: {  	[smem:$0x3FB8] =	sst s10  }
0x32: {  	s10 =	sld [smem:$0x3FB6];
	_ =	sdelay $0x3  }
0x33: {  	p0 =	seq.s32 s10, $0x1;
	s10 =	sld [smem:$0x3FB8];
	_ =	sdelay $0x3  }
0x34: {  	[smem:$0x3FB8] =	sst s10  }
0x35: {  	s10 =	sld [smem:$0x3FB7];
	_ =	sdelay $0x3  }
0x36: {  	p1 =	seq.s32 s10, $0x1;
	s10 =	sld [smem:$0x3FB8];
	_ =	sdelay $0x3  }
0x37: {  	[smem:$0x3FB8] =	sst s10  }
0x38: {  	s10 =	sld [smem:$0x3FB9]  }
0x39: {  	_ = 	snop;
	(pc) =	sbr.ind lr, $3  }
0x3a: {  	_ = 	snop  }
0x3b: {  	_ = 	snop  }
0x3c: {  	p2 =	seq.s32 s10, $0x1;
	s10 =	sld [smem:$0x3FB8]  }
0x3d: {  	_ =	shalt  }
0x3e: {  	_ =	shalt  }
0x3f: {  	_ =	shalt  }
0x40: {  	_ =	shalt  }
0x41: {  	_ =	shalt  }
0x42: {  	_ =	shalt  }
0x43: {  	_ =	shalt  }
0x44: {  	_ =	shalt  }
0x45: {  	_ =	shalt  }
0x46: {  	_ =	shalt  }
0x47: {  	_ =	shalt  }
0x48: {  	_ =	shalt  }
0x49: {  	_ =	shalt  }
0x4a: {  	_ =	shalt  }
0x4b: {  	_ =	shalt  }
0x4c: {  	_ =	shalt  }
0x4d: {  	_ =	shalt  }
0x4e: {  	_ =	shalt  }
0x4f: {  	_ =	shalt  }
0x50: {  	_ =	shalt  }
0x51: {  	_ =	shalt  }
0x52: {  	_ =	shalt  }
0x53: {  	_ =	shalt  }
0x54: {  	_ =	shalt  }
0x55: {  	_ =	shalt  }
0x56: {  	_ =	shalt  }
0x57: {  	_ =	shalt  }
0x58: {  	_ =	shalt  }
0x59: {  	_ =	shalt  }
0x5a: {  	_ =	shalt  }
0x5b: {  	_ =	shalt  }
0x5c: {  	_ =	shalt  }
0x5d: {  	_ =	shalt  }
0x5e: {  	_ =	shalt  }
0x5f: {  	_ =	shalt  }
0x60: {  	_ =	shalt  }
0x61: {  	_ =	shalt  }
0x62: {  	_ =	shalt  }
0x63: {  	_ =	shalt  }
0x64: {  	_ =	shalt  }
0x65: {  	_ =	shalt  }
0x66: {  	_ =	shalt  }
0x67: {  	_ =	shalt  }
0x68: {  	_ =	shalt  }
0x69: {  	_ =	shalt  }
0x6a: {  	_ =	shalt  }
0x6b: {  	_ =	shalt  }
0x6c: {  	_ =	shalt  }
0x6d: {  	_ =	shalt  }
0x6e: {  	_ =	shalt  }
0x6f: {  	_ =	shalt  }
0x70: {  	_ =	shalt  }
0x71: {  	_ =	shalt  }
0x72: {  	_ =	shalt  }
0x73: {  	_ =	shalt  }
0x74: {  	_ =	shalt  }
0x75: {  	_ =	shalt  }
0x76: {  	_ =	shalt  }
0x77: {  	_ =	shalt  }
0x78: {  	_ =	shalt  }
0x79: {  	_ =	shalt  }
0x7a: {  	_ =	shalt  }
0x7b: {  	_ =	shalt  }
0x7c: {  	_ =	shalt  }
0x7d: {  	_ =	shalt  }
0x7e: {  	_ =	shalt  }
0x7f: {  	_ =	shalt  }
0x80: {  	_ =	shalt  }
0x81: {  	_ =	shalt  }
0x82: {  	_ =	shalt  }
0x83: {  	_ =	shalt  }
0x84: {  	_ =	shalt  }
0x85: {  	_ =	shalt  }
0x86: {  	_ =	shalt  }
0x87: {  	_ =	shalt  }
.Lfunc_end0:
.L_simem_size_0:
called_computation_lowered:
.L_overlay_start_0:
0x88: {  	s2 =	sld [smem:$0x3FD9]  }
0x89: {  	s3 =	sld [smem:$0x3FFE];
	_ =	sdelay $0x1  }
0x8a: {  	s1 =	srdreg.scid  }
0x8b: {  	s0 =	sand.u32 $0x1, s1  }
0x8c: {  	s17 =	sshll.u32 s0, $0xA;
	s2 =	sadd.s32 s3, s2  }
0x8d: {  	s2 =	sadd.s32 s2, s17  }
0x8e: {  	[smem:$0x3FC4] =	sst s2  }
0x8f: {  	_ = 	snop  }
0x90: {  	s2 =	sld [smem:$0x3FC8]  }
0x91: {  	s18 =	sld [smem:$0x3FD0];
	(tm) =	ssettm $0x1  }
0x92: {  	s4 =	sld [smem:$0x3FFB];
	_ =	sdelay $0x3  }
0x93: {  	_ =	strace s4  }
0x94: {  	s4 =	sld [smem:$0x3FFC];
	_ =	sdelay $0x3  }
0x95: {  	_ =	strace s4  }
0x96: {  	s4 =	sld [smem:$0x3FFD];
	_ =	sdelay $0x3  }
0x97: {  	_ =	strace s4  }
0x98: {  	_ =	strace $0x8FFFFFFF  }
0x99: {  	s19 =	sld [smem:$0x3FDB];
	_ =	sdelay $0x1  }
0x9a: {  	s5 =	simm.s32 $_scs_section_size  }
0x9b: {  	s6 =	simm.s32 $_size__tile_overlayer_lowered;
	s7 =	simm.s32 $_tile_overlayer_lowered  }
0x9c: {  	s22 =	simm.s32 $0x1BFF;
	s21 =	sshll.u32 s7, $0x1;
	s4 =	sadd.s32 s5, s19  }
0x9d: {  	s8 =	simm.s32 $0x0;
	s20 =	sshll.u32 s6, $0x1;
	s6 =	sadd.s32 s21, s4  }
0x9e: {  	[timem:s8], [sflag:s22] =	dma.local [hbm:s6], s20  }
0x9f: {  	_ =	swait.ge [sflag:s22], s20  }
0xa0: {  	s5 =	ssub.s32 $0x0, s20;
	[sflag:s22] =	ssyncset.done $0x0  }
0xa1: {  	[sflag:s22] =	ssyncadd.s32 s5;
	_ =	sdelay $0x1  }
0xa2: {  	s23 =	simm.s32 $0x1B8B  }
0xa3: {  	_ =	swait.ge [sflag:s23], $0x1  }
0xa4: {  	[sflag:s23] =	ssyncset.done $0x0  }
0xa5: {  	s25 =	simm.s32 $0x1B8E;
	s24 =	sld [smem:$0x3FFE];
	[sflag:s23] =	ssyncadd.s32 $0xFFFFFFFF  }
0xa6: {  	s26 =	simm.s32 $execute0_lowered;
	[smem:$0x3FD2] =	sst s25  }
0xa7: {  	s6 =	sshll.u32 s26, $0x1;
	_ =	strace $0x80000046;
	[dreg:$0x1] =	wrdreg $0xFFFFFFFF  }
0xa8: {  	s28 =	simm.s32 $_size_execute0_lowered;
	s4 =	sadd.s32 s4, s6;
	[dreg:$0x0] =	wrdreg $0x0  }
0xa9: {  	s6 =	sshll.u32 s28, $0x1;
	[dreg:$0x2] =	wrdreg s4  }
0xaa: {  	[dreg:$0x3] =	wrdreg s6  }
0xab: {  	[dreg:$0x4] =	wrdreg $0xC0  }
0xac: {  	_ =	task [dreg:s8], $0x5FFFF  }
0xad: {  	[dreg:$0x1] =	wrdreg $0xFFFFFFFF  }
0xae: {  	[dreg:$0x0] =	wrdreg $0x60  }
0xaf: {  	[dreg:$0x2] =	wrdreg s24  }
0xb0: {  	[dreg:$0x3] =	wrdreg s2  }
0xb1: {  	[dreg:$0x4] =	wrdreg s18  }
0xb2: {  	[dreg:$0x5] =	wrdreg $0x9  }
0xb3: {  	_ =	task.clear_ibuf [dreg:s8], $0x6FFFF;
	_ =	strace $0x90000046  }
0xb4: {  	s29 =	simm.s32 $0x9;
	_ =	strace $0x80000048  }
0xb5: {  	_ =	swait.ge [sflag:s29], $0x1  }
0xb6: {  	[sflag:s29] =	ssyncadd.s32 $0xFFFFFFFF  }
0xb7: {  	_ =	strace $0x90000048  }
0xb8: {  	_ =	sfence  }
0xb9: {  	s30 =	sld [smem:$0x0];
	_ =	sdelay $0x2  }
0xba: {  	s31 =	sshll.u32 s1, $0xD;
	s1 =	sshrl.u32 s1, $0x2  }
0xbb: {  	s3 =	sand.u32 $0x4000, s31;
	s1 =	sadd.s32 s1, s30  }
0xbc: {  	s0 =	sor.u32 s3, s0;
	s1 =	sshll.u32 s1, $0x11  }
0xbd: {  	s0 =	sor.u32 s1, s0  }
0xbe: {  	s0 =	sadd.s32 $0x8F2B, s0  }
0xbf: {  	[sflag:s0] =	ssyncadd.remote.s32 $0x1  }
0xc0: {  	_ =	sfence.sel $0xFFFF  }
0xc1: {  	[dreg:$0x0] =	wrdreg $0xFFFFFFFF;
	(pc) =	sbr.abs _section_cstart, $3  }
0xc2: {  	[dreg:$0x1] =	wrdreg $0xFFFFFFFF  }
0xc3: {  	_ =	task.clear_ibuf [dreg:s8], $0x2FFFF;
	_ =	strace $0x9FFFFFFF  }
0xc4: {  	(tm) =	ssettm $0x7FFFFFFF  }
0xc5: {  	_ =	shalt  }
tec
execute0_lowered:
.L_overlay_start_1:
0x0: {  	(tag) =	ssettag $0x1  }
0x1: {  	s4 =	rddreg [dreg:$0x0]  }
0x2: {  	s1 =	rddreg [dreg:$0x1]  }
0x3: {  	v0 =	vimm.s32 $0xFEDCBA98;
	s5 =	rddreg [dreg:$0x2];
	s3 =	srdreg.scid;
	v1 =	vimm.s32 $0x76543210  }
0x4: {  	s0 =	rddreg [dreg:$0x3];
	s2 =	stileid.u32;
	v2 =	vimm.s32 $0xBA98FEDC;
	v3 =	vimm.s32 $0x32107654;
	v4 =	vimm.s32 $0xDCFE98BA  }
0x5: {  	v5 =	vimm.s32 $0x54761032;
	v6 =	vimm.s32 $0xEFCDAB89;
	s9 =	simm.s32 $0x80;
	s10 =	simm.s32 $0x8000;
	s11 =	simm.s32 $0x48  }
0x6: {  	v7 =	vimm.s32 $0x67452301;
	s12 =	simm.s32 $0x400;
	s13 =	simm.s32 $0xC000;
	s14 =	simm.s32 $0xE400  }
0x7: {  	s15 =	simm.s32 $0x480;
	s16 =	simm.s32 $0x12400;
	s17 =	simm.s32 $0x1;
	v0 =	vunpack.c.l.s4.s8 v0;
	v1 =	vunpack.c.l.s4.s8 v1;
	v2 =	vunpack.c.l.s4.s8 v2  }
0x8: {  	s18 =	simm.s32 $0x2;
	s19 =	simm.s32 $0x14880;
	s20 =	simm.s32 $0x0;
	v3 =	vunpack.c.l.s4.s8 v3;
	v4 =	vunpack.c.l.s4.s8 v4;
	v5 =	vunpack.c.l.s4.s8 v5  }
0x9: {  	s6 =	sand.u32 $0x1, s3;
	s3 =	simm.s32 $0x0;
	s7 =	sshll.u32 s2, $0x8;
	v6 =	vunpack.c.l.s4.s8 v6;
	v7 =	vunpack.c.l.s4.s8 v7;
	v0 =	vunpack.c.0.s8.s32 v0  }
0xa: {  	s8 =	sshll.u32 s6, $0x7;
	[smem:$0x7FF] =	sst s3;
	s6 =	ssub.s32 $0x2, s6;
	v1 =	vunpack.c.0.s8.s32 v1;
	v2 =	vunpack.c.0.s8.s32 v2;
	v3 =	vunpack.c.0.s8.s32 v3  }
0xb: {  	s7 =	sor.u32 s8, s7;
	_ =	strace $0x80000047;
	s31 =	sshrl.u32 s6, $0x1;
	v4 =	vunpack.c.0.s8.s32 v4;
	v5 =	vunpack.c.0.s8.s32 v5;
	v0 =	vand.u32 $0xF, v0  }
0xc: {  	v6 =	vunpack.c.0.s8.s32 v6;
	v7 =	vunpack.c.0.s8.s32 v7;
	s8 =	sshll.u32 s7, $0x5;
	s7 =	sshll.u32 s7, $0x4;
	s6 =	ssub.s32 s6, s31;
	v0 =	vcombine.low v0, v1  }
0xd: {  	s4 =	sadd.s32 s8, s4;
	s5 =	sadd.s32 s5, s7;
	s6 =	smax.u32 s6, $0x1;
	v1 =	vcombine.low v3, v2;
	v2 =	vcombine.low v5, v4;
	v3 =	vimm.s32 $0x0  }
0xe: {  	vm0 =	vmmov $0xff;
	s7 =	simm.s32 $0x3;
	s8 =	simm.s32 $0x14800;
	s4 =	sadd.s32 $0xA00, s4;
	v4 =	vcombine.low v7, v6;
	v3 =	vperm.xlane v3, v0  }
.LBB2_1:
0xf: {  	[tilespmem:s3], [sflag:$0x3] =	stream.linear.gather [hbm4b:s4+s3], $0x8000, $0x38;
	[tilespmem:$0x18880] =	vst v63  }
0x10: {  	_ =	swait.ge [sflag:s7], $0x8000  }
0x11: {  	[sflag:s7] =	ssyncset.done $0x0  }
0x12: {  	[sflag:s7] =	ssyncadd.s32 $0xFFFF8000  }
0x13: {  	[tilespmem:s8], [sflag:$0x3] =	stream.linear.gather [hbm4b:s1+s3], $0x80, $0x38;
	[tilespmem:$0x18880] =	vst v63  }
0x14: {  	_ =	swait.ge [sflag:s7], $0x80  }
0x15: {  	[sflag:s7] =	ssyncset.done $0x0  }
0x16: {  	[sflag:s7] =	ssyncadd.s32 $0xFFFFFF80  }
0x17: {  	v12 =	vld [tilespmem:$0x14800]  }
0x18: {  	v11 =	vld [tilespmem:$0x14810]  }
0x19: {  	v10 =	vld [tilespmem:$0x14820]  }
0x1a: {  	v9 =	vld [tilespmem:$0x14830]  }
0x1b: {  	v8 =	vld [tilespmem:$0x14840]  }
0x1c: {  	v7 =	vld [tilespmem:$0x14850]  }
0x1d: {  	v6 =	vld [tilespmem:$0x14860]  }
0x1e: {  	v5 =	vld [tilespmem:$0x14870];
	[tilespmem:s10], [sflag:$0x1] =	stream.indirect.gather [hbm4b:s1+s9], $0x80, s3, s9, $0xb8  }
0x1f: {  	_ = 	snop  }
0x20: {  	[tilespmem:s13], [sflag:$0x1] =	stream.indirect.gather [hbm4b:s1+s11], $0x80, s12, s11, $0xb8;
	[tilespmem:$0x18880] =	vst v63  }
0x21: {  	_ = 	snop  }
0x22: {  	[tilespmem:s14], [sflag:$0x2] =	stream.indirect.gather [hbm4b:s1+s9], $0x80, s9, s9, $0xb8;
	[tilespmem:$0x18880] =	vst v63  }
0x23: {  	s21 =	simm.s32 $0x0  }
0x24: {  	[tilespmem:s16], [sflag:$0x2] =	stream.indirect.gather [hbm4b:s1+s11], $0x80, s15, s11, $0xb8;
	[tilespmem:$0x18880] =	vst v63  }
.LBB2_2:
0x25: {  	_ =	swait.ge [sflag:s17], $0x6400;
	s22 =	sshll.u32 s21, $0x9;
	s24 =	sshll.u32 s21, $0x8  }
0x26: {  	[sflag:s17] =	ssyncset.done $0x0;
	s23 =	sand.u32 $0x7800, s22;
	s31 =	sand.u32 $0x300, s24  }
0x27: {  	[sflag:s17] =	ssyncadd.s32 $0xFFFF9C00;
	s22 =	sor.u32 s31, s23  }
0x28: {  	v13 =	vld [tilespmem:s22+$0x0]  }
0x29: {  	v14 =	vld [tilespmem:s22+$0x10]  }
0x2a: {  	v15 =	vld [tilespmem:s22+$0x20]  }
0x2b: {  	v16 =	vld [tilespmem:s22+$0x30]  }
0x2c: {  	v17 =	vld [tilespmem:s22+$0x40]  }
0x2d: {  	v18 =	vld [tilespmem:s22+$0x50]  }
0x2e: {  	v19 =	vld [tilespmem:s22+$0x60];
	vm1 =	vlt.s32 v13, $0x1  }
0x2f: {  	v20 =	vld [tilespmem:s22+$0x70];
	vm2 =	vlt.s32 v15, $0x1;
	v13 =	vnsel vm1, $0x1, v13;
	vm1 =	vlt.s32 v14, $0x1  }
0x30: {  	v21 =	vld [tilespmem:s22+$0x400];
	v15 =	vnsel vm2, $0x1, v15;
	v14 =	vnsel vm1, $0x1, v14;
	vm1 =	vlt.s32 v16, $0x1  }
0x31: {  	s25 =	sor.u32 $0x440, s22;
	v13 =	vadd.s32 v13, v14;
	v14 =	vnsel vm1, $0x1, v16;
	vm1 =	vlt.s32 v17, $0x1;
	v16 =	vld [tilespmem:s22+$0x430]  }
0x32: {  	v13 =	vadd.s32 v15, v13;
	v15 =	vnsel vm1, $0x1, v17;
	vm1 =	vlt.s32 v18, $0x1;
	v17 =	vld.msk [tilespmem:s25+$0x0], $0xff  }
0x33: {  	v13 =	vadd.s32 v14, v13;
	v14 =	vnsel vm1, $0x1, v18;
	vm1 =	vlt.s32 v19, $0x1;
	v18 =	vld [tilespmem:s22+$0x410]  }
0x34: {  	v13 =	vadd.s32 v15, v13;
	v15 =	vnsel vm1, $0x1, v19;
	vm1 =	vlt.s32 v20, $0x1  }
0x35: {  	v19 =	vld [tilespmem:s22+$0x420];
	v13 =	vadd.s32 v14, v13;
	v14 =	vnsel vm1, $0x1, v20;
	vm1 =	vlt.s32 v21, $0x1  }
0x36: {  	v13 =	vadd.s32 v15, v13;
	v15 =	vnsel vm1, $0x1, v21;
	vm1 =	vlt.s32 v16, $0x1  }
0x37: {  	v13 =	vadd.s32 v14, v13;
	v14 =	vnsel vm1, $0x1, v16;
	vm1 =	vlt.s32 v17, $0x1  }
0x38: {  	v13 =	vadd.s32 v15, v13;
	v15 =	vnsel vm1, $0x1, v17;
	vm1 =	vlt.s32 v18, $0x1  }
0x39: {  	v17 =	vmul.u32 v3, v14;
	v16 =	vnsel vm1, $0x1, v18;
	v15 =	vmul.u32 v3, v15  }
0x3a: {  	vm1 =	vlt.s32 v19, $0x1;
	v13 =	vadd.s32 v16, v13  }
0x3b: {  	v16 =	vnsel vm1, $0x1, v19;
	v17 =	vperm.xlane v17, v0;
	v15 =	vperm.xlane v15, v0  }
0x3c: {  	v13 =	vadd.s32 v16, v13  }
0x3d: {  	v13 =	vadd.s32 v14, v13;
	v14 =	vsel vm0, v17, v15  }
0x3e: {  	v13 =	vadd.s32 v14, v13  }
0x3f: {  	v13 =	vcvt.s32.f32 v13;
	_ =	sdelay $0x1  }
0x40: {  	v14 =	vperm.xlane v13, v0;
	_ =	sdelay $0x1  }
0x41: {  	v13 =	vadd.f32 v13, v14;
	_ =	sdelay $0x1  }
0x42: {  	s26 =	simm.s32 $0x0;
	v14 =	vperm.xlane v13, v1  }
0x43: {  	v15 =	vld [tilespmem:s26+$0x8000]  }
0x44: {  	v13 =	vadd.f32 v13, v14;
	v14 =	vld [tilespmem:s26+$0x8070]  }
0x45: {  	v19 =	vld [tilespmem:s26+$0x8010]  }
0x46: {  	v18 =	vld [tilespmem:s26+$0x8020];
	v16 =	vperm.xlane v13, v2  }
0x47: {  	v24 =	vimm.f32 $0.0e+00;
	v20 =	vld [tilespmem:s26+$0x8030]  }
0x48: {  	v25 =	vimm.f32 $0.0e+00;
	v21 =	vld [tilespmem:s26+$0x8040];
	v17 =	vadd.f32 v13, v16;
	v16 =	vimm.f32 $0.0e+00  }
0x49: {  	v22 =	vimm.f32 $0.0e+00;
	v26 =	vld [tilespmem:s26+$0x8050];
	v13 =	vadd.f32 v14, v16;
	v14 =	vadd.f32 v15, v16  }
0x4a: {  	v27 =	vld [tilespmem:s26+$0x8060];
	s25 =	simm.s32 $0x400;
	s22 =	simm.s32 $0x80;
	v15 =	vadd.f32 v19, v16;
	v19 =	vimm.f32 $0.0e+00;
	v23 =	vperm.xlane v17, v4  }
.LBB2_3:
0x4b: {  	p0 =	sne.s32 s25, $0x18E00;
	v28 =	vld [tilespmem:s22+$0x8070];
	v16 =	vadd.f32 v18, v16  }
0x4c: {  	v29 =	vld [tilespmem:s22+$0x8000];
	v19 =	vadd.f32 v20, v19  }
0x4d: {  	v30 =	vld [tilespmem:s22+$0x8010];
	v24 =	vadd.f32 v21, v24  }
.Ltmp0:
0x4e: {  	v18 =	vld [tilespmem:s22+$0x8020];
	v25 =	vadd.f32 v26, v25;
	(pc) =	sbr.rel @p0 .LBB2_3-.Ltmp0, $4  }
0x4f: {  	v20 =	vld [tilespmem:s22+$0x8030];
	v22 =	vadd.f32 v27, v22  }
0x50: {  	v21 =	vld [tilespmem:s22+$0x8040];
	v13 =	vadd.f32 v28, v13  }
0x51: {  	v14 =	vadd.f32 v29, v14;
	v26 =	vld [tilespmem:s22+$0x8050]  }
0x52: {  	v15 =	vadd.f32 v30, v15;
	v27 =	vld [tilespmem:s22+$0x8060];
	s22 =	sshra.s32 s25, $0x2;
	s25 =	sadd.s32 $0x200, s25  }
0x53: {  	v28 =	vld [tilespmem:s22+$0x8070];
	v17 =	vadd.f32 v17, v23  }
0x54: {  	v23 =	vld [tilespmem:s22+$0x8000]  }
0x55: {  	v29 =	vld [tilespmem:s22+$0x8010];
	v30 =	vmax.f32 v17, $1.000000000e+00  }
0x56: {  	v31 =	vld [tilespmem:s22+$0x8020];
	(erf) = vrcp.f32 v30  }
0x57: {  	v63 =	vld [tilespmem:s22+$0x8030]  }
0x58: {  	v16 =	vadd.f32 v18, v16;
	v18 =	vadd.f32 v20, v19;
	v19 =	vld [tilespmem:s22+$0x8040]  }
0x59: {  	v20 =	vadd.f32 v21, v24;
	v24 =	vld [tilespmem:s22+$0x8050];
	v17 =	vsub.f32 $2.000000000e+02, v17  }
0x5a: {  	v21 =	vadd.f32 v26, v25;
	v25 =	vld [tilespmem:s22+$0x8060];
	v22 =	vadd.f32 v27, v22  }
0x5b: {  	v13 =	vadd.f32 v28, v13;
	v14 =	vadd.f32 v23, v14  }
0x5c: {  	v15 =	vadd.f32 v29, v15;
	v16 =	vadd.f32 v31, v16;
	v23 =	vmul.f32 v17, v12  }
0x5d: {  	v18 =	vadd.f32 v63, v18;
	v19 =	vadd.f32 v19, v20;
	v20 =	vmul.f32 v17, v11  }
0x5e: {  	v21 =	vadd.f32 v24, v21;
	v14 =	vsub.f32 v14, v23;
	v23 =	vmul.f32 v17, v10  }
0x5f: {  	v22 =	vadd.f32 v25, v22;
	v15 =	vsub.f32 v15, v20;
	v20 =	vmul.f32 v17, v9;
	v24 =	vpop (erf)  }
0x60: {  	v16 =	vsub.f32 v16, v23;
	v23 =	vmul.f32 v17, v8;
	v14 =	vmul.f32 v14, v24  }
0x61: {  	v18 =	vsub.f32 v18, v20;
	v20 =	vmul.f32 v17, v7;
	v15 =	vmul.f32 v15, v24  }
0x62: {  	[tilespmem:s24+$0x14880] =	vst v14;
	v14 =	vmul.f32 v16, v24;
	v16 =	vsub.f32 v19, v23;
	v19 =	vmul.f32 v17, v6  }
0x63: {  	[tilespmem:s24+$0x14890] =	vst v15;
	v15 =	vmul.f32 v18, v24;
	v18 =	vsub.f32 v21, v20;
	v17 =	vmul.f32 v17, v5  }
0x64: {  	[tilespmem:s24+$0x148A0] =	vst v14;
	v14 =	vmul.f32 v16, v24;
	v16 =	vsub.f32 v22, v19  }
0x65: {  	s22 =	sshll.u32 s21, $0x1;
	[tilespmem:s24+$0x148B0] =	vst v15;
	v15 =	vmul.f32 v18, v24;
	v13 =	vsub.f32 v13, v17  }
0x66: {  	s25 =	sadd.s32 $0x2, s22;
	[tilespmem:s24+$0x148C0] =	vst v14;
	v14 =	vmul.f32 v16, v24  }
0x67: {  	s26 =	sshll.u32 s25, $0x8;
	s25 =	sshll.u32 s25, $0x7;
	[tilespmem:s24+$0x148D0] =	vst v15;
	v13 =	vmul.f32 v13, v24  }
0x68: {  	s26 =	sand.u32 $0xF800, s26;
	s25 =	sand.u32 $0x300, s25;
	[tilespmem:s24+$0x148E0] =	vst v14  }
0x69: {  	s25 =	sor.u32 s25, s26;
	[tilespmem:s24+$0x148F0] =	vst v13  }
0x6a: {  	[tilespmem:s10], [sflag:$0x1] =	stream.indirect.gather [hbm4b:s1+s9], $0x80, s25, s9, $0xb8;
	[tilespmem:$0x18880] =	vst v63  }
0x6b: {  	s25 =	sor.u32 $0x400, s25  }
0x6c: {  	[tilespmem:s13], [sflag:$0x1] =	stream.indirect.gather [hbm4b:s1+s11], $0x80, s25, s11, $0xb8;
	[tilespmem:$0x18880] =	vst v63  }
0x6d: {  	s24 =	sor.u32 $0x80, s24;
	_ =	swait.ge [sflag:s18], $0x6400  }
0x6e: {  	s30 =	sand.u32 $0x380, s24;
	[sflag:s18] =	ssyncset.done $0x0  }
0x6f: {  	s23 =	sadd.s32 s30, s23;
	[sflag:s18] =	ssyncadd.s32 $0xFFFF9C00  }
0x70: {  	v13 =	vld [tilespmem:s23+$0x0]  }
0x71: {  	v14 =	vld [tilespmem:s23+$0x10]  }
0x72: {  	v15 =	vld [tilespmem:s23+$0x20]  }
0x73: {  	v16 =	vld [tilespmem:s23+$0x30]  }
0x74: {  	v17 =	vld [tilespmem:s23+$0x40]  }
0x75: {  	v18 =	vld [tilespmem:s23+$0x50]  }
0x76: {  	v19 =	vld [tilespmem:s23+$0x60];
	vm1 =	vlt.s32 v13, $0x1  }
0x77: {  	v20 =	vld [tilespmem:s23+$0x70];
	vm2 =	vlt.s32 v15, $0x1;
	v13 =	vnsel vm1, $0x1, v13;
	vm1 =	vlt.s32 v14, $0x1  }
0x78: {  	v21 =	vld [tilespmem:s23+$0x400];
	v15 =	vnsel vm2, $0x1, v15;
	v14 =	vnsel vm1, $0x1, v14;
	vm1 =	vlt.s32 v16, $0x1  }
0x79: {  	v13 =	vadd.s32 v13, v14;
	v14 =	vnsel vm1, $0x1, v16;
	vm1 =	vlt.s32 v17, $0x1;
	v16 =	vld [tilespmem:s23+$0x430]  }
0x7a: {  	v13 =	vadd.s32 v15, v13;
	v15 =	vnsel vm1, $0x1, v17;
	vm1 =	vlt.s32 v18, $0x1;
	v17 =	vld.msk [tilespmem:s23+$0x440], $0xff  }
0x7b: {  	v13 =	vadd.s32 v14, v13;
	v14 =	vnsel vm1, $0x1, v18;
	vm1 =	vlt.s32 v19, $0x1;
	v18 =	vld [tilespmem:s23+$0x410]  }
0x7c: {  	v13 =	vadd.s32 v15, v13;
	v15 =	vnsel vm1, $0x1, v19;
	vm1 =	vlt.s32 v20, $0x1  }
0x7d: {  	v19 =	vld [tilespmem:s23+$0x420];
	v13 =	vadd.s32 v14, v13;
	v14 =	vnsel vm1, $0x1, v20;
	vm1 =	vlt.s32 v21, $0x1  }
0x7e: {  	v13 =	vadd.s32 v15, v13;
	v15 =	vnsel vm1, $0x1, v21;
	vm1 =	vlt.s32 v16, $0x1  }
0x7f: {  	v13 =	vadd.s32 v14, v13;
	v14 =	vnsel vm1, $0x1, v16;
	vm1 =	vlt.s32 v17, $0x1  }
0x80: {  	v13 =	vadd.s32 v15, v13;
	v15 =	vnsel vm1, $0x1, v17;
	vm1 =	vlt.s32 v18, $0x1  }
0x81: {  	v17 =	vmul.u32 v3, v14;
	v16 =	vnsel vm1, $0x1, v18;
	v15 =	vmul.u32 v3, v15  }
0x82: {  	vm1 =	vlt.s32 v19, $0x1;
	v13 =	vadd.s32 v16, v13  }
0x83: {  	v16 =	vnsel vm1, $0x1, v19;
	v17 =	vperm.xlane v17, v0;
	v15 =	vperm.xlane v15, v0  }
0x84: {  	v13 =	vadd.s32 v16, v13  }
0x85: {  	v13 =	vadd.s32 v14, v13;
	v14 =	vsel vm0, v17, v15  }
0x86: {  	v13 =	vadd.s32 v14, v13  }
0x87: {  	v13 =	vcvt.s32.f32 v13;
	_ =	sdelay $0x1  }
0x88: {  	v14 =	vperm.xlane v13, v0;
	_ =	sdelay $0x1  }
0x89: {  	v13 =	vadd.f32 v13, v14;
	_ =	sdelay $0x1  }
0x8a: {  	s31 =	simm.s32 $0x0;
	v14 =	vperm.xlane v13, v1  }
0x8b: {  	v15 =	vld [tilespmem:s31+$0xE400]  }
0x8c: {  	v13 =	vadd.f32 v13, v14;
	v14 =	vld [tilespmem:s31+$0xE470]  }
0x8d: {  	v19 =	vld [tilespmem:s31+$0xE410]  }
0x8e: {  	v18 =	vld [tilespmem:s31+$0xE420];
	v16 =	vperm.xlane v13, v2  }
0x8f: {  	v25 =	vimm.f32 $0.0e+00;
	v20 =	vld [tilespmem:s31+$0xE430]  }
0x90: {  	v22 =	vimm.f32 $0.0e+00;
	v21 =	vld [tilespmem:s31+$0xE440];
	v17 =	vadd.f32 v13, v16;
	v16 =	vimm.f32 $0.0e+00  }
0x91: {  	v24 =	vimm.f32 $0.0e+00;
	v26 =	vld [tilespmem:s31+$0xE450];
	v13 =	vadd.f32 v14, v16;
	v14 =	vadd.f32 v15, v16  }
0x92: {  	s25 =	simm.s32 $0x400;
	v27 =	vld [tilespmem:s31+$0xE460];
	s23 =	simm.s32 $0x80;
	v15 =	vadd.f32 v19, v16;
	v19 =	vimm.f32 $0.0e+00;
	v23 =	vperm.xlane v17, v4  }
.LBB2_5:
0x93: {  	p0 =	sne.s32 s25, $0x18E00;
	v28 =	vld [tilespmem:s23+$0xE470];
	v16 =	vadd.f32 v18, v16  }
0x94: {  	v29 =	vld [tilespmem:s23+$0xE400];
	v19 =	vadd.f32 v20, v19  }
0x95: {  	v30 =	vld [tilespmem:s23+$0xE410];
	v24 =	vadd.f32 v21, v24  }
.Ltmp1:
0x96: {  	v18 =	vld [tilespmem:s23+$0xE420];
	v25 =	vadd.f32 v26, v25;
	(pc) =	sbr.rel @p0 .LBB2_5-.Ltmp1, $4  }
0x97: {  	v20 =	vld [tilespmem:s23+$0xE430];
	v22 =	vadd.f32 v27, v22  }
0x98: {  	v21 =	vld [tilespmem:s23+$0xE440];
	v13 =	vadd.f32 v28, v13  }
0x99: {  	v14 =	vadd.f32 v29, v14;
	v26 =	vld [tilespmem:s23+$0xE450]  }
0x9a: {  	v15 =	vadd.f32 v30, v15;
	v27 =	vld [tilespmem:s23+$0xE460];
	s23 =	sshra.s32 s25, $0x2;
	s25 =	sadd.s32 $0x200, s25  }
0x9b: {  	v17 =	vadd.f32 v17, v23;
	_ =	sdelay $0x1  }
0x9c: {  	v30 =	vmax.f32 v17, $1.000000000e+00  }
0x9d: {  	(erf) = vrcp.f32 v30  }
0x9e: {  	v45 =	vld [tilespmem:s23+$0xE400]  }
0x9f: {  	v29 =	vld [tilespmem:s23+$0xE410];
	v17 =	vsub.f32 $2.000000000e+02, v17  }
0xa0: {  	v28 =	vld [tilespmem:s23+$0xE470];
	v16 =	vadd.f32 v18, v16;
	v47 =	vadd.f32 v20, v19  }
0xa1: {  	v31 =	vld [tilespmem:s23+$0xE420];
	v49 =	vadd.f32 v21, v24;
	v50 =	vadd.f32 v26, v25;
	v53 =	vmul.f32 v17, v12  }
0xa2: {  	v46 =	vld [tilespmem:s23+$0xE430];
	v22 =	vadd.f32 v27, v22;
	v54 =	vmul.f32 v17, v11;
	v55 =	vmul.f32 v17, v10  }
0xa3: {  	v48 =	vld [tilespmem:s23+$0xE440];
	v57 =	vmul.f32 v17, v9;
	v58 =	vmul.f32 v17, v8;
	v14 =	vadd.f32 v45, v14  }
0xa4: {  	v51 =	vld [tilespmem:s23+$0xE450];
	v59 =	vmul.f32 v17, v7;
	v61 =	vmul.f32 v17, v6;
	v15 =	vadd.f32 v29, v15  }
0xa5: {  	v52 =	vld [tilespmem:s23+$0xE460];
	v17 =	vmul.f32 v17, v5;
	v13 =	vadd.f32 v28, v13;
	v14 =	vsub.f32 v14, v53  }
0xa6: {  	v16 =	vadd.f32 v31, v16;
	v15 =	vsub.f32 v15, v54;
	v56 =	vpop (erf)  }
0xa7: {  	v18 =	vadd.f32 v46, v47;
	v13 =	vsub.f32 v13, v17;
	v14 =	vmul.f32 v14, v56  }
0xa8: {  	v19 =	vadd.f32 v48, v49;
	v16 =	vsub.f32 v16, v55;
	v15 =	vmul.f32 v15, v56  }
0xa9: {  	v21 =	vadd.f32 v51, v50;
	v18 =	vsub.f32 v18, v57;
	v13 =	vmul.f32 v13, v56;
	[tilespmem:s24+$0x14880] =	vst v14  }
0xaa: {  	v22 =	vadd.f32 v52, v22;
	v60 =	vsub.f32 v19, v58;
	v14 =	vmul.f32 v16, v56;
	[tilespmem:s24+$0x14890] =	vst v15  }
0xab: {  	v62 =	vsub.f32 v21, v59;
	v15 =	vmul.f32 v18, v56;
	[tilespmem:s24+$0x148F0] =	vst v13  }
0xac: {  	v63 =	vsub.f32 v22, v61;
	[tilespmem:s24+$0x148A0] =	vst v14;
	v14 =	vmul.f32 v60, v56  }
0xad: {  	s22 =	sadd.s32 $0x3, s22;
	s21 =	sadd.s32 $0x1, s21;
	[tilespmem:s24+$0x148B0] =	vst v15;
	v15 =	vmul.f32 v62, v56  }
0xae: {  	s31 =	sshll.u32 s22, $0x8;
	s22 =	sshll.u32 s22, $0x7;
	p0 =	sne.s32 s21, $0x3F;
	[tilespmem:s24+$0x148C0] =	vst v14;
	v14 =	vmul.f32 v63, v56  }
.Ltmp2:
0xaf: {  	s23 =	sand.u32 $0xF800, s31;
	s22 =	sand.u32 $0x380, s22;
	[tilespmem:s24+$0x148D0] =	vst v15;
	(pc) =	sbr.rel @p0 .LBB2_2-.Ltmp2, $4  }
0xb0: {  	s22 =	sor.u32 s22, s23;
	[tilespmem:s24+$0x148E0] =	vst v14  }
0xb1: {  	[tilespmem:s14], [sflag:$0x2] =	stream.indirect.gather [hbm4b:s1+s9], $0x80, s22, s9, $0xb8;
	[tilespmem:$0x18880] =	vst v63  }
0xb2: {  	s22 =	sor.u32 $0x400, s22  }
0xb3: {  	[tilespmem:s16], [sflag:$0x2] =	stream.indirect.gather [hbm4b:s1+s11], $0x80, s22, s11, $0xb8;
	[tilespmem:$0x18880] =	vst v63  }
0xb4: {  	_ =	swait.ge [sflag:s17], $0x6400  }
0xb5: {  	[sflag:s17] =	ssyncset.done $0x0  }
0xb6: {  	[sflag:s17] =	ssyncadd.s32 $0xFFFF9C00  }
0xb7: {  	v13 =	vld [tilespmem:$0x7B00]  }
0xb8: {  	v14 =	vld [tilespmem:$0x7B10]  }
0xb9: {  	v15 =	vld [tilespmem:$0x7B20]  }
0xba: {  	v16 =	vld [tilespmem:$0x7B30]  }
0xbb: {  	v17 =	vld [tilespmem:$0x7B40]  }
0xbc: {  	v18 =	vld [tilespmem:$0x7B50]  }
0xbd: {  	v19 =	vld [tilespmem:$0x7B60];
	vm1 =	vlt.s32 v13, $0x1  }
0xbe: {  	v20 =	vld [tilespmem:$0x7B70];
	vm2 =	vlt.s32 v15, $0x1;
	v13 =	vnsel vm1, $0x1, v13;
	vm1 =	vlt.s32 v14, $0x1  }
0xbf: {  	v21 =	vld [tilespmem:$0x7F00];
	v15 =	vnsel vm2, $0x1, v15;
	v14 =	vnsel vm1, $0x1, v14;
	vm1 =	vlt.s32 v16, $0x1  }
0xc0: {  	v13 =	vadd.s32 v13, v14;
	v14 =	vnsel vm1, $0x1, v16;
	vm1 =	vlt.s32 v17, $0x1;
	v16 =	vld [tilespmem:$0x7F30]  }
0xc1: {  	v13 =	vadd.s32 v15, v13;
	v15 =	vnsel vm1, $0x1, v17;
	vm1 =	vlt.s32 v18, $0x1;
	v17 =	vld.msk [tilespmem:$0x7F40], $0xff  }
0xc2: {  	v13 =	vadd.s32 v14, v13;
	v14 =	vnsel vm1, $0x1, v18;
	vm1 =	vlt.s32 v19, $0x1;
	v18 =	vld [tilespmem:$0x7F10]  }
0xc3: {  	v13 =	vadd.s32 v15, v13;
	v15 =	vnsel vm1, $0x1, v19;
	vm1 =	vlt.s32 v20, $0x1  }
0xc4: {  	v19 =	vld [tilespmem:$0x7F20];
	v13 =	vadd.s32 v14, v13;
	v14 =	vnsel vm1, $0x1, v20;
	vm1 =	vlt.s32 v21, $0x1  }
0xc5: {  	v13 =	vadd.s32 v15, v13;
	v15 =	vnsel vm1, $0x1, v21;
	vm1 =	vlt.s32 v16, $0x1  }
0xc6: {  	v13 =	vadd.s32 v14, v13;
	v14 =	vnsel vm1, $0x1, v16;
	vm1 =	vlt.s32 v17, $0x1  }
0xc7: {  	v13 =	vadd.s32 v15, v13;
	v15 =	vnsel vm1, $0x1, v17;
	vm1 =	vlt.s32 v18, $0x1  }
0xc8: {  	v17 =	vmul.u32 v3, v14;
	v16 =	vnsel vm1, $0x1, v18;
	v15 =	vmul.u32 v3, v15  }
0xc9: {  	vm1 =	vlt.s32 v19, $0x1;
	v13 =	vadd.s32 v16, v13  }
0xca: {  	v16 =	vnsel vm1, $0x1, v19;
	v17 =	vperm.xlane v17, v0;
	v15 =	vperm.xlane v15, v0  }
0xcb: {  	v13 =	vadd.s32 v16, v13  }
0xcc: {  	v13 =	vadd.s32 v14, v13;
	v14 =	vsel vm0, v17, v15  }
0xcd: {  	v13 =	vadd.s32 v14, v13  }
0xce: {  	v13 =	vcvt.s32.f32 v13;
	_ =	sdelay $0x1  }
0xcf: {  	v14 =	vperm.xlane v13, v0;
	_ =	sdelay $0x1  }
0xd0: {  	v13 =	vadd.f32 v13, v14;
	_ =	sdelay $0x1  }
0xd1: {  	s23 =	simm.s32 $0x0;
	v14 =	vperm.xlane v13, v1  }
0xd2: {  	v15 =	vld [tilespmem:s23+$0x8000]  }
0xd3: {  	v13 =	vadd.f32 v13, v14;
	v14 =	vld [tilespmem:s23+$0x8070]  }
0xd4: {  	v19 =	vld [tilespmem:s23+$0x8010]  }
0xd5: {  	v18 =	vld [tilespmem:s23+$0x8020];
	v16 =	vperm.xlane v13, v2  }
0xd6: {  	v24 =	vimm.f32 $0.0e+00;
	v20 =	vld [tilespmem:s23+$0x8030]  }
0xd7: {  	v25 =	vimm.f32 $0.0e+00;
	v21 =	vld [tilespmem:s23+$0x8040];
	v17 =	vadd.f32 v13, v16;
	v16 =	vimm.f32 $0.0e+00  }
0xd8: {  	v22 =	vimm.f32 $0.0e+00;
	v26 =	vld [tilespmem:s23+$0x8050];
	v13 =	vadd.f32 v14, v16;
	v14 =	vadd.f32 v15, v16  }
0xd9: {  	s21 =	simm.s32 $0x80;
	s22 =	simm.s32 $0x400;
	v27 =	vld [tilespmem:s23+$0x8060];
	v15 =	vadd.f32 v19, v16;
	v19 =	vimm.f32 $0.0e+00;
	v23 =	vperm.xlane v17, v4  }
.LBB2_8:
0xda: {  	p0 =	sne.s32 s22, $0x18E00;
	v28 =	vld [tilespmem:s21+$0x8070];
	v16 =	vadd.f32 v18, v16  }
0xdb: {  	v29 =	vld [tilespmem:s21+$0x8000];
	v19 =	vadd.f32 v20, v19  }
0xdc: {  	v30 =	vld [tilespmem:s21+$0x8010];
	v24 =	vadd.f32 v21, v24  }
.Ltmp3:
0xdd: {  	v18 =	vld [tilespmem:s21+$0x8020];
	v25 =	vadd.f32 v26, v25;
	(pc) =	sbr.rel @p0 .LBB2_8-.Ltmp3, $4  }
0xde: {  	v20 =	vld [tilespmem:s21+$0x8030];
	v22 =	vadd.f32 v27, v22  }
0xdf: {  	v21 =	vld [tilespmem:s21+$0x8040];
	v13 =	vadd.f32 v28, v13  }
0xe0: {  	v14 =	vadd.f32 v29, v14;
	v26 =	vld [tilespmem:s21+$0x8050]  }
0xe1: {  	v15 =	vadd.f32 v30, v15;
	v27 =	vld [tilespmem:s21+$0x8060];
	s21 =	sshra.s32 s22, $0x2;
	s22 =	sadd.s32 $0x200, s22  }
0xe2: {  	v28 =	vld [tilespmem:s21+$0x8070];
	v17 =	vadd.f32 v17, v23  }
0xe3: {  	v23 =	vld [tilespmem:s21+$0x8000]  }
0xe4: {  	v29 =	vld [tilespmem:s21+$0x8010];
	v30 =	vmax.f32 v17, $1.000000000e+00  }
0xe5: {  	v31 =	vld [tilespmem:s21+$0x8020];
	(erf) = vrcp.f32 v30  }
0xe6: {  	v63 =	vld [tilespmem:s21+$0x8030]  }
0xe7: {  	v16 =	vadd.f32 v18, v16;
	v18 =	vadd.f32 v20, v19;
	v19 =	vld [tilespmem:s21+$0x8040]  }
0xe8: {  	v20 =	vadd.f32 v21, v24;
	v24 =	vld [tilespmem:s21+$0x8050];
	v17 =	vsub.f32 $2.000000000e+02, v17  }
0xe9: {  	v21 =	vadd.f32 v26, v25;
	v25 =	vld [tilespmem:s21+$0x8060];
	v22 =	vadd.f32 v27, v22  }
0xea: {  	v13 =	vadd.f32 v28, v13;
	v14 =	vadd.f32 v23, v14  }
0xeb: {  	v15 =	vadd.f32 v29, v15;
	v16 =	vadd.f32 v31, v16;
	v23 =	vmul.f32 v17, v12  }
0xec: {  	v18 =	vadd.f32 v63, v18;
	v19 =	vadd.f32 v19, v20;
	v20 =	vmul.f32 v17, v11  }
0xed: {  	v21 =	vadd.f32 v24, v21;
	v14 =	vsub.f32 v14, v23;
	v23 =	vmul.f32 v17, v10  }
0xee: {  	v22 =	vadd.f32 v25, v22;
	v15 =	vsub.f32 v15, v20;
	v20 =	vmul.f32 v17, v9;
	v24 =	vpop (erf)  }
0xef: {  	v16 =	vsub.f32 v16, v23;
	v23 =	vmul.f32 v17, v8;
	v14 =	vmul.f32 v14, v24  }
0xf0: {  	v18 =	vsub.f32 v18, v20;
	v20 =	vmul.f32 v17, v7;
	v15 =	vmul.f32 v15, v24  }
0xf1: {  	[tilespmem:$0x18780] =	vst v14;
	v14 =	vmul.f32 v16, v24;
	v16 =	vsub.f32 v19, v23;
	v19 =	vmul.f32 v17, v6  }
0xf2: {  	[tilespmem:$0x18790] =	vst v15;
	v15 =	vmul.f32 v18, v24;
	v18 =	vsub.f32 v21, v20;
	v17 =	vmul.f32 v17, v5  }
0xf3: {  	[tilespmem:$0x187A0] =	vst v14;
	v14 =	vmul.f32 v16, v24;
	v16 =	vsub.f32 v22, v19  }
0xf4: {  	[tilespmem:$0x187B0] =	vst v15;
	v15 =	vmul.f32 v18, v24;
	v13 =	vsub.f32 v13, v17  }
0xf5: {  	[tilespmem:$0x187C0] =	vst v14;
	v14 =	vmul.f32 v16, v24  }
0xf6: {  	[tilespmem:$0x187D0] =	vst v15;
	v13 =	vmul.f32 v13, v24  }
0xf7: {  	[tilespmem:$0x187E0] =	vst v14  }
0xf8: {  	[tilespmem:$0x187F0] =	vst v13  }
0xf9: {  	_ =	swait.ge [sflag:s18], $0x6400  }
0xfa: {  	[sflag:s18] =	ssyncset.done $0x0  }
0xfb: {  	[sflag:s18] =	ssyncadd.s32 $0xFFFF9C00  }
0xfc: {  	v13 =	vld [tilespmem:$0x7B80]  }
0xfd: {  	v14 =	vld [tilespmem:$0x7B90]  }
0xfe: {  	v15 =	vld [tilespmem:$0x7BA0]  }
0xff: {  	v16 =	vld [tilespmem:$0x7BB0]  }
0x100: {  	v17 =	vld [tilespmem:$0x7BC0]  }
0x101: {  	v18 =	vld [tilespmem:$0x7BD0]  }
0x102: {  	v19 =	vld [tilespmem:$0x7BE0];
	vm1 =	vlt.s32 v13, $0x1  }
0x103: {  	v20 =	vld [tilespmem:$0x7BF0];
	vm2 =	vlt.s32 v15, $0x1;
	v13 =	vnsel vm1, $0x1, v13;
	vm1 =	vlt.s32 v14, $0x1  }
0x104: {  	v21 =	vld [tilespmem:$0x7F80];
	v15 =	vnsel vm2, $0x1, v15;
	v14 =	vnsel vm1, $0x1, v14;
	vm1 =	vlt.s32 v16, $0x1  }
0x105: {  	v13 =	vadd.s32 v13, v14;
	v14 =	vnsel vm1, $0x1, v16;
	vm1 =	vlt.s32 v17, $0x1;
	v16 =	vld [tilespmem:$0x7FB0]  }
0x106: {  	v13 =	vadd.s32 v15, v13;
	v15 =	vnsel vm1, $0x1, v17;
	vm1 =	vlt.s32 v18, $0x1;
	v17 =	vld.msk [tilespmem:$0x7FC0], $0xff  }
0x107: {  	v13 =	vadd.s32 v14, v13;
	v14 =	vnsel vm1, $0x1, v18;
	vm1 =	vlt.s32 v19, $0x1;
	v18 =	vld [tilespmem:$0x7F90]  }
0x108: {  	v13 =	vadd.s32 v15, v13;
	v15 =	vnsel vm1, $0x1, v19;
	vm1 =	vlt.s32 v20, $0x1  }
0x109: {  	v19 =	vld [tilespmem:$0x7FA0];
	v13 =	vadd.s32 v14, v13;
	v14 =	vnsel vm1, $0x1, v20;
	vm1 =	vlt.s32 v21, $0x1  }
0x10a: {  	v13 =	vadd.s32 v15, v13;
	v15 =	vnsel vm1, $0x1, v21;
	vm1 =	vlt.s32 v16, $0x1  }
0x10b: {  	v13 =	vadd.s32 v14, v13;
	v14 =	vnsel vm1, $0x1, v16;
	vm1 =	vlt.s32 v17, $0x1  }
0x10c: {  	v13 =	vadd.s32 v15, v13;
	v15 =	vnsel vm1, $0x1, v17;
	vm1 =	vlt.s32 v18, $0x1  }
0x10d: {  	v17 =	vmul.u32 v3, v14;
	v16 =	vnsel vm1, $0x1, v18;
	v15 =	vmul.u32 v3, v15  }
0x10e: {  	vm1 =	vlt.s32 v19, $0x1;
	v13 =	vadd.s32 v16, v13  }
0x10f: {  	v16 =	vnsel vm1, $0x1, v19;
	v17 =	vperm.xlane v17, v0;
	v15 =	vperm.xlane v15, v0  }
0x110: {  	v13 =	vadd.s32 v16, v13  }
0x111: {  	v13 =	vadd.s32 v14, v13;
	v14 =	vsel vm0, v17, v15  }
0x112: {  	v13 =	vadd.s32 v14, v13  }
0x113: {  	v13 =	vcvt.s32.f32 v13;
	_ =	sdelay $0x1  }
0x114: {  	v14 =	vperm.xlane v13, v0;
	_ =	sdelay $0x1  }
0x115: {  	v13 =	vadd.f32 v13, v14;
	_ =	sdelay $0x1  }
0x116: {  	s23 =	simm.s32 $0x0;
	v14 =	vperm.xlane v13, v1  }
0x117: {  	v15 =	vld [tilespmem:s23+$0xE400]  }
0x118: {  	v13 =	vadd.f32 v13, v14;
	v14 =	vld [tilespmem:s23+$0xE470]  }
0x119: {  	v19 =	vld [tilespmem:s23+$0xE410]  }
0x11a: {  	v18 =	vld [tilespmem:s23+$0xE420];
	v16 =	vperm.xlane v13, v2  }
0x11b: {  	v25 =	vimm.f32 $0.0e+00;
	v20 =	vld [tilespmem:s23+$0xE430]  }
0x11c: {  	v22 =	vimm.f32 $0.0e+00;
	v21 =	vld [tilespmem:s23+$0xE440];
	v17 =	vadd.f32 v13, v16;
	v16 =	vimm.f32 $0.0e+00  }
0x11d: {  	v24 =	vimm.f32 $0.0e+00;
	v26 =	vld [tilespmem:s23+$0xE450];
	v13 =	vadd.f32 v14, v16;
	v14 =	vadd.f32 v15, v16  }
0x11e: {  	s22 =	simm.s32 $0x400;
	s21 =	simm.s32 $0x80;
	v27 =	vld [tilespmem:s23+$0xE460];
	v15 =	vadd.f32 v19, v16;
	v19 =	vimm.f32 $0.0e+00;
	v23 =	vperm.xlane v17, v4  }
.LBB2_10:
0x11f: {  	p0 =	sne.s32 s22, $0x18E00;
	v28 =	vld [tilespmem:s21+$0xE470];
	v16 =	vadd.f32 v18, v16  }
0x120: {  	v29 =	vld [tilespmem:s21+$0xE400];
	v19 =	vadd.f32 v20, v19  }
0x121: {  	v30 =	vld [tilespmem:s21+$0xE410];
	v24 =	vadd.f32 v21, v24  }
.Ltmp4:
0x122: {  	v18 =	vld [tilespmem:s21+$0xE420];
	v25 =	vadd.f32 v26, v25;
	(pc) =	sbr.rel @p0 .LBB2_10-.Ltmp4, $4  }
0x123: {  	v20 =	vld [tilespmem:s21+$0xE430];
	v22 =	vadd.f32 v27, v22  }
0x124: {  	v21 =	vld [tilespmem:s21+$0xE440];
	v13 =	vadd.f32 v28, v13  }
0x125: {  	v14 =	vadd.f32 v29, v14;
	v26 =	vld [tilespmem:s21+$0xE450]  }
0x126: {  	v15 =	vadd.f32 v30, v15;
	v27 =	vld [tilespmem:s21+$0xE460];
	s21 =	sshra.s32 s22, $0x2;
	s22 =	sadd.s32 $0x200, s22  }
0x127: {  	v17 =	vadd.f32 v17, v23;
	_ =	sdelay $0x1  }
0x128: {  	v30 =	vmax.f32 v17, $1.000000000e+00  }
0x129: {  	(erf) = vrcp.f32 v30  }
0x12a: {  	v53 =	vld [tilespmem:s21+$0xE400]  }
0x12b: {  	v29 =	vld [tilespmem:s21+$0xE410];
	v16 =	vadd.f32 v18, v16  }
0x12c: {  	v31 =	vld [tilespmem:s21+$0xE420];
	v55 =	vadd.f32 v20, v19;
	v17 =	vsub.f32 $2.000000000e+02, v17  }
0x12d: {  	v54 =	vld [tilespmem:s21+$0xE430];
	v57 =	vadd.f32 v21, v24;
	v58 =	vadd.f32 v26, v25  }
0x12e: {  	v56 =	vld [tilespmem:s21+$0xE440];
	v22 =	vadd.f32 v27, v22;
	v12 =	vmul.f32 v17, v12;
	v11 =	vmul.f32 v17, v11  }
0x12f: {  	v59 =	vld [tilespmem:s21+$0xE450];
	v10 =	vmul.f32 v17, v10;
	v9 =	vmul.f32 v17, v9;
	v14 =	vadd.f32 v53, v14  }
0x130: {  	v60 =	vld [tilespmem:s21+$0xE460];
	v8 =	vmul.f32 v17, v8;
	v7 =	vmul.f32 v17, v7;
	v15 =	vadd.f32 v29, v15  }
0x131: {  	v28 =	vld [tilespmem:s21+$0xE470];
	v6 =	vmul.f32 v17, v6;
	v16 =	vadd.f32 v31, v16;
	v12 =	vsub.f32 v14, v12  }
0x132: {  	v5 =	vmul.f32 v17, v5;
	v18 =	vadd.f32 v54, v55;
	v11 =	vsub.f32 v15, v11;
	v63 =	vpop (erf)  }
0x133: {  	v19 =	vadd.f32 v56, v57;
	v10 =	vsub.f32 v16, v10;
	v12 =	vmul.f32 v12, v63  }
0x134: {  	v61 =	vadd.f32 v59, v58;
	v9 =	vsub.f32 v18, v9;
	v11 =	vmul.f32 v11, v63  }
0x135: {  	v62 =	vadd.f32 v60, v22;
	v8 =	vsub.f32 v19, v8;
	v10 =	vmul.f32 v10, v63;
	[tilespmem:$0x18800] =	vst v12  }
0x136: {  	v13 =	vadd.f32 v28, v13;
	v7 =	vsub.f32 v61, v7;
	v9 =	vmul.f32 v9, v63;
	[tilespmem:$0x18810] =	vst v11  }
0x137: {  	v6 =	vsub.f32 v62, v6;
	v8 =	vmul.f32 v8, v63;
	[tilespmem:$0x18820] =	vst v10  }
0x138: {  	v5 =	vsub.f32 v13, v5;
	v7 =	vmul.f32 v7, v63;
	[tilespmem:$0x18830] =	vst v9  }
0x139: {  	v6 =	vmul.f32 v6, v63;
	[tilespmem:$0x18840] =	vst v8  }
0x13a: {  	s20 =	sadd.s32 $0x1, s20;
	v5 =	vmul.f32 v5, v63;
	[tilespmem:$0x18850] =	vst v7  }
0x13b: {  	p0 =	sne.s32 s20, s6;
	[tilespmem:$0x18860] =	vst v6  }
.Ltmp5:
0x13c: {  	[tilespmem:$0x18870] =	vst v5;
	(pc) =	sbr.rel @p0 .LBB2_1-.Ltmp5, $4  }
0x13d: {  	[hbm4b:s5+s3] =	stream.linear.scatter [tilespmem:s19], [sflag:$0x3], $0x4000, $0x38;
	[tilespmem:$0x18880] =	vst v63  }
0x13e: {  	_ =	swait.ge [sflag:s7], $0x4000  }
0x13f: {  	[sflag:s7] =	ssyncset.done $0x0  }
0x140: {  	[sflag:s7] =	ssyncadd.s32 $0xFFFFC000  }
0x141: {  	_ =	sfence.sel $0x180000  }
0x142: {  	[bflag:$0x0] =	sbarrier.arrive $0xFFFF  }
0x143: {  	p0 =	sne.s32 s2, $0x0;
	_ =	strace $0x90000047  }
0x144: {  	s0 =	sadd.s32 @!p0 $0x100000, s0;
	[bflag:$0x2] =	sbarrier.arrive $0xFFFF  }
0x145: {  	[sflag:s0] =	ssyncadd.tile.s32 @!p0 $0x1;
	_ =	shalt  }
.Lfunc_end2:
_tile_overlayer_lowered:
.L_overlay_start_2:
0x146: {  	(tag) =	ssettag $0x2  }
0x147: {  	s0 =	rddreg [dreg:$0x0];
	s2 =	stileid.u32  }
0x148: {  	s1 =	rddreg [dreg:$0x1];
	p0 =	sne.s32 s2, $0x0  }
0x149: {  	s3 =	rddreg [dreg:$0x2];
	[bflag:$0x3] =	sbarrier.arrive $0xFFFF;
	s2 =	simm.s32 @!p0 $0x1C03  }
0x14a: {  	[timem:s3], [sflag:s2] =	dma.local @!p0 [hbm:s0], s1  }
0x14b: {  	s0 =	simm.s32 @!p0 $0x3  }
0x14c: {  	_ =	swait.ge @!p0 [sflag:s0], s1  }
0x14d: {  	s1 =	ssub.s32 @!p0 $0x0, s1;
	[sflag:s0] =	ssyncset.done @!p0 $0x0  }
0x14e: {  	[sflag:s0] =	ssyncadd.s32 @!p0 s1  }
0x14f: {  	[bflag:$0x3] =	sbarrier.arrive $0xFFFF  }
0x150: {  	_ =	shalt  }

</sc_bundles>
